<compile_context>
chip_gen: v7x
topology: tpu7x:2x2x1
jax: 0.10.2.dev20260603
libtpu: 0.0.44.dev20260713+nightly
codegen_flags: <defaults>
</compile_context>

<pallas_src>
import functools

import jax
import jax.numpy as jnp
from jax import lax
from jax.experimental import pallas as pl
from jax.experimental.pallas import tpu as pltpu
from jax.experimental.pallas import tpu_sc as plsc

_B = 128
_N = 4096
_T = 2.0
_NC = 2
_NS = 16
_NW = _NC * _NS
_BPW = _B // _NW
_NA = 9
_VPR = _N // 16
_NSC = 4
_NBLK = 8
_BLK = _N // _NBLK
_NEG = float("-inf")


@functools.partial(
    pl.kernel,
    mesh=plsc.VectorSubcoreMesh(core_axis_name="c", subcore_axis_name="s"),
    out_type=[
        jax.ShapeDtypeStruct((_B, 16), jnp.float32),
        jax.ShapeDtypeStruct((_NW, 16), jnp.float32),
    ],
    scratch_types=[
        pltpu.VMEM((_BPW, _N), jnp.float32),
        pltpu.VMEM((_BPW, _N), jnp.float32),
        pltpu.VMEM((_B,), jnp.int32),
        pltpu.VMEM((_BPW, 16), jnp.float32),
        pltpu.VMEM((1, 16), jnp.float32),
        pltpu.SemaphoreType.DMA,
        pltpu.SemaphoreType.DMA,
    ],
    compiler_params=pltpu.CompilerParams(needs_layout_passes=False,
                                         skip_device_barrier=True),
)
def _sc_stage(o1, o2, o3, o4, tgt_hbm,
              marg_out, part_out,
              buf0, buf1, tgt_v, marg_v, pm_v, sem0, sem1):
    refs = [o1, o2, o3, o4]
    wid = lax.axis_index("c") * _NS + lax.axis_index("s")
    b0 = wid * _BPW

    pltpu.sync_copy(tgt_hbm, tgt_v)

    bufs = [buf0, buf1]
    sems = [sem0, sem1]

    def start(a):
        return pltpu.async_copy(refs[a].at[pl.ds(b0, _BPW)], bufs[a % 2],
                                sems[a % 2])

    pending = start(0)
    pm = jnp.float32(_NEG)
    neg_vec = jnp.full((16,), _NEG)
    lane = lax.iota(jnp.int32, 16)
    zero_vec = jnp.zeros((16,), jnp.float32)

    for bi in range(_BPW):
        marg_v[bi, :] = zero_vec

    for a in range(_NSC):
        buf = bufs[a % 2]
        cur = pending
        if a + 1 < _NSC:
            pending = start(a + 1)
        cur.wait()

        def row_body(bi, pm, buf=buf, a=a):
            bi_vec = jnp.full((16,), bi, jnp.int32)
            t_all = plsc.load_gather(tgt_v, [jnp.full((16,), b0 + bi, jnp.int32)])

            def mbody(i, accs):
                acc = list(accs)
                base = i * 16
                for u in range(16):
                    v = buf[bi, pl.ds(base + u * 16, 16)]
                    acc[u % 8] = jnp.maximum(acc[u % 8], v)
                return tuple(acc)

            accs = plsc.parallel_loop(
                0, _VPR, step=16, unroll=2,
                carry=(neg_vec,) * 8)(mbody)
            macc = accs[0]
            for t in accs[1:]:
                macc = jnp.maximum(macc, t)
            m = jnp.max(macc)
            v_t = plsc.load_gather(buf, [bi_vec, t_all])[0]

            def fix():
                l0_vec = t_all & 15
                col_base = l0_vec + lane * 16

                def fbody(i, caccs):
                    out = list(caccs)
                    for u in range(4):
                        idx = col_base + (i * 4 + u) * 256
                        g = plsc.load_gather(buf, [bi_vec, idx])
                        out[u] = jnp.maximum(
                            out[u], jnp.where(idx == t_all, _NEG, g))
                    return tuple(out)

                c0, c1, c2, c3 = lax.fori_loop(
                    0, 4, fbody, (neg_vec, neg_vec, neg_vec, neg_vec))
                call = jnp.maximum(jnp.maximum(c0, c1), jnp.maximum(c2, c3))
                macc_o = jnp.where(lane == l0_vec, _NEG, macc)
                me = jnp.maximum(jnp.max(macc_o), jnp.max(call))
                return m - me

            margin = lax.cond(v_t >= m, fix, lambda: jnp.float32(0.0))

            mv = marg_v[bi, :]
            marg_v[bi, :] = jnp.where(lane == a, margin, mv)
            return jnp.maximum(pm, m)

        pm = lax.fori_loop(0, _BPW, row_body, pm)

    pm_v[0, :] = jnp.full((16,), pm)
    pltpu.sync_copy(marg_v, marg_out.at[pl.ds(b0, _BPW)])
    pltpu.sync_copy(pm_v, part_out.at[pl.ds(wid, 1)])


def _tc_marg_body(o5r, o6r, o7r, o8r, mimr, tgtr, marg_ref, pm_ref,
                  acc_ref):
    i = pl.program_id(0)
    tcol = tgtr[...]
    col = lax.broadcasted_iota(jnp.int32, (_B, _BLK), 1) + i * _BLK
    hit = col == tcol
    neg = jnp.float32(_NEG)
    ms, mes = [], []
    for r in (o5r, o6r, o7r, o8r, mimr):
        x = r[...]
        ms.append(jnp.max(x, axis=1, keepdims=True))
        mes.append(jnp.max(jnp.where(hit, neg, x), axis=1, keepdims=True))
    new = jnp.concatenate(
        ms + mes + [jnp.full((_B, 16 - 2 * 5), _NEG)], axis=1)
    prev = jnp.where(i == 0, jnp.full((_B, 16), _NEG), acc_ref[...])
    upd = jnp.maximum(prev, new)
    acc_ref[...] = upd

    @pl.when(i == _NBLK - 1)
    def _():
        m5 = upd[:, 0:5]
        me5 = upd[:, 5:10]
        marg_ref[...] = jnp.concatenate(
            [jnp.zeros((_B, _NSC)), m5 - me5, jnp.zeros((_B, 16 - _NSC - 5))],
            axis=1)
        pm_ref[...] = jnp.full((1, 1), jnp.max(upd[:, 0:4]))


_tc_marg = pl.pallas_call(
    _tc_marg_body,
    grid=(_NBLK,),
    in_specs=[pl.BlockSpec((_B, _BLK), lambda i: (0, i))] * 5
    + [pl.BlockSpec((_B, 1), lambda i: (0, 0))],
    out_specs=(pl.BlockSpec((_B, 16), lambda i: (0, 0)),
               pl.BlockSpec((1, 1), lambda i: (0, 0))),
    out_shape=(jax.ShapeDtypeStruct((_B, 16), jnp.float32),
               jax.ShapeDtypeStruct((1, 1), jnp.float32)),
    scratch_shapes=[pltpu.VMEM((_B, 16), jnp.float32)],
)


def _fin_body(msc, mtc, psc, ptc, thr_ref, mx_ref):
    margins = msc[...] + mtc[...]
    lanes = lax.broadcasted_iota(jnp.int32, (_B, 16), 1)
    valid = lanes < _NA
    logits = margins * jnp.float32(1.0 / _T)
    mrow = jnp.max(jnp.where(valid, logits, jnp.float32(-1e30)),
                   axis=1, keepdims=True)
    e = jnp.where(valid, jnp.exp(logits - mrow), jnp.float32(0.0))
    thr_ref[...] = (e / jnp.sum(e, axis=1, keepdims=True))[:, :_NA]
    mx_ref[0] = jnp.maximum(jnp.max(psc[...]), jnp.max(ptc[...]))


_fin = pl.pallas_call(
    _fin_body,
    out_shape=(jax.ShapeDtypeStruct((_B, _NA), jnp.float32),
               jax.ShapeDtypeStruct((1,), jnp.float32)),
    out_specs=(pl.BlockSpec((_B, _NA), lambda: (0, 0)),
               pl.BlockSpec(memory_space=pltpu.SMEM)),
)


def kernel(outputs1, outputs2, outputs3, outputs4, outputs5, outputs6,
           outputs7, outputs8, mimic, targets, n_test):
    tgt32 = targets.astype(jnp.int32)
    marg_sc, part_sc = _sc_stage(outputs1, outputs2, outputs3, outputs4,
                                 tgt32)
    marg_tc, pm_tc = _tc_marg(outputs5, outputs6, outputs7, outputs8, mimic,
                              tgt32.reshape(_B, 1))
    thr, mx = _fin(marg_sc, marg_tc, part_sc, pm_tc)
    return mx[0], thr

# --- scband reference (transcript-rebuilt; emitter-appended) ---
"""Pipeline reference for scband-threshold-weights8-52699248721955 (READ-ONLY COPY).

The authoritative reference and input builder live on the scoring server;
editing this copy changes nothing except your own understanding.
"""

import jax, jax.numpy as jnp
import numpy as np

B = 128
N = 4096
T = 2.0


def setup_inputs(seed: int = 0) -> dict:
    key = jax.random.key(seed)
    ks = jax.random.split(key, 10)
    inp = {}
    for i in range(8):
        inp[f"outputs{i+1}"] = jax.random.normal(ks[i], (B, N), dtype=jnp.float32)
    inp["mimic"] = jax.random.normal(ks[8], (B, N), dtype=jnp.float32)
    inp["targets"] = jax.random.randint(ks[9], (B,), 0, N)
    inp["n_test"] = B
    return inp


def _margin(out, targets):
    # torch.sort(descending)[0][:2] == top-2 values
    vals, _ = jax.lax.top_k(out, 2)
    tgt = jnp.take_along_axis(out, targets[:, None], axis=1)[:, 0]
    return jnp.where(tgt == vals[:, 0], vals[:, 0] - vals[:, 1], jnp.zeros_like(tgt))


def reference(outputs1, outputs2, outputs3, outputs4, outputs5, outputs6, outputs7, outputs8, mimic, targets, n_test):
    all9 = [outputs1, outputs2, outputs3, outputs4, outputs5, outputs6, outputs7, outputs8, mimic]
    margins = jnp.stack([_margin(o, targets) for o in all9], axis=1)  # [B, 9]
    out_threshold = jax.nn.softmax(margins / T, axis=1)
    max_preds = jnp.max(jnp.stack([outputs1, outputs2, outputs3, outputs4, outputs5, outputs6, outputs7, outputs8], axis=0))
    return (max_preds, out_threshold)

if __name__ == "__main__":
    import jax
    _d = setup_inputs()
    print(jax.jit(kernel)(*tuple(_d.values())))

</pallas_src>

<mosaic_0001>
#map = affine_map<(d0, d1) -> (0, 0)>
#map1 = affine_map<(d0, d1) -> (0)>
module attributes {stable_mosaic.version = 14 : i64} {
  func.func @_sc_stage(%arg0: i32, %arg1: i32, %arg2: memref<128x4096xf32, #tpu.memory_space<hbm>>, %arg3: memref<128x4096xf32, #tpu.memory_space<hbm>>, %arg4: memref<128x4096xf32, #tpu.memory_space<hbm>>, %arg5: memref<128x4096xf32, #tpu.memory_space<hbm>>, %arg6: memref<128xi32, #tpu.memory_space<hbm>>, %arg7: memref<128x16xf32, #tpu.memory_space<hbm>>, %arg8: memref<32x16xf32, #tpu.memory_space<hbm>>, %arg9: memref<4x4096xf32, #tpu.memory_space<vmem>>, %arg10: memref<4x4096xf32, #tpu.memory_space<vmem>>, %arg11: memref<128xi32, #tpu.memory_space<vmem>>, %arg12: memref<4x16xf32, #tpu.memory_space<vmem>>, %arg13: memref<1x16xf32, #tpu.memory_space<vmem>>, %arg14: memref<!tpu.dma_semaphore, #tpu.memory_space<semaphore_mem>>, %arg15: memref<!tpu.dma_semaphore, #tpu.memory_space<semaphore_mem>>) attributes {dimension_semantics = [#tpu.dimension_semantics<core_parallel>, #tpu.dimension_semantics<subcore_parallel>], iteration_bounds = array<i64: 2, 16>, scalar_prefetch = 0 : i64, scratch_operands = 7 : i64, tpu.core_type = #tpu.core_type<sc_vector_subcore>, window_params = [{transform_indices = #map}, {transform_indices = #map}, {transform_indices = #map}, {transform_indices = #map}, {transform_indices = #map1}, {transform_indices = #map}, {transform_indices = #map}]} {
    %mul3A = arith.constant 16 : i32
    %mul3A_0 = arith.muli %arg0, %mul3A : i32
    %add3A = arith.addi %mul3A_0, %arg1 : i32
    %mul3A_1 = arith.constant 4 : i32
    %mul3A_2 = arith.muli %add3A, %mul3A_1 : i32
    "tpu.region"() ({
      %run_scoped3A = tpu.sem_alloc : memref<!tpu.dma_semaphore, #tpu.memory_space<semaphore_mem>>
      tpu.enqueue_dma source(%arg6 : memref<128xi32, #tpu.memory_space<hbm>>) target(%arg11 : memref<128xi32, #tpu.memory_space<vmem>>) target_semaphore(%run_scoped3A : memref<!tpu.dma_semaphore, #tpu.memory_space<semaphore_mem>>)
      tpu.wait_dma2 semaphore(%run_scoped3A : memref<!tpu.dma_semaphore, #tpu.memory_space<semaphore_mem>>) src(%arg6 : memref<128xi32, #tpu.memory_space<hbm>>) dst(%arg11 : memref<128xi32, #tpu.memory_space<vmem>>)
      tpu.yield
    }) : () -> ()
    %dma_start3A = arith.constant 0 : i32
    %dma_start3A_3 = tpu.memref_slice %arg2[%mul3A_2, %dma_start3A] : memref<128x4096xf32, #tpu.memory_space<hbm>> -> memref<4x4096xf32, #tpu.memory_space<hbm>>
    %dma_start3A_4 = arith.constant 0 : i32
    %dma_start3A_5 = tpu.memref_slice %arg2[%mul3A_2, %dma_start3A_4] : memref<128x4096xf32, #tpu.memory_space<hbm>> -> memref<4x4096xf32, #tpu.memory_space<hbm>>
    tpu.enqueue_dma source(%dma_start3A_5 : memref<4x4096xf32, #tpu.memory_space<hbm>>) target(%arg9 : memref<4x4096xf32, #tpu.memory_space<vmem>>) target_semaphore(%arg14 : memref<!tpu.dma_semaphore, #tpu.memory_space<semaphore_mem>>)
    %broadcast_in_dim3A = arith.constant 0xFF800000 : f32
    %broadcast_in_dim3A_6 = vector.broadcast %broadcast_in_dim3A : f32 to vector<16xf32>
    %iota3A = tpu.iota {dimensions = array<i32: 0>} : vector<16xi32>
    %broadcast_in_dim3A_7 = arith.constant 0.000000e+00 : f32
    %broadcast_in_dim3A_8 = vector.broadcast %broadcast_in_dim3A_7 : f32 to vector<16xf32>
    %swap3A = arith.constant 0 : i32
    %swap3A_9 = arith.index_cast %swap3A : i32 to index
    %swap3A_10 = arith.constant 0 : index
    %swap3A_11 = tpu.vector_load %arg12[%swap3A_9, %swap3A_10] {strides = array<i32>} : memref<4x16xf32, #tpu.memory_space<vmem>>, vector<16xf32>,
    tpu.vector_store %arg12[%swap3A_9, %swap3A_10], %broadcast_in_dim3A_8 {strides = array<i32>} : memref<4x16xf32, #tpu.memory_space<vmem>>, vector<16xf32>,
    %swap3A_12 = arith.constant 1 : i32
    %swap3A_13 = arith.index_cast %swap3A_12 : i32 to index
    %swap3A_14 = arith.constant 0 : index
    %swap3A_15 = tpu.vector_load %arg12[%swap3A_13, %swap3A_14] {strides = array<i32>} : memref<4x16xf32, #tpu.memory_space<vmem>>, vector<16xf32>,
    tpu.vector_store %arg12[%swap3A_13, %swap3A_14], %broadcast_in_dim3A_8 {strides = array<i32>} : memref<4x16xf32, #tpu.memory_space<vmem>>, vector<16xf32>,
    %swap3A_16 = arith.constant 2 : i32
    %swap3A_17 = arith.index_cast %swap3A_16 : i32 to index
    %swap3A_18 = arith.constant 0 : index
    %swap3A_19 = tpu.vector_load %arg12[%swap3A_17, %swap3A_18] {strides = array<i32>} : memref<4x16xf32, #tpu.memory_space<vmem>>, vector<16xf32>,
    tpu.vector_store %arg12[%swap3A_17, %swap3A_18], %broadcast_in_dim3A_8 {strides = array<i32>} : memref<4x16xf32, #tpu.memory_space<vmem>>, vector<16xf32>,
    %swap3A_20 = arith.constant 3 : i32
    %swap3A_21 = arith.index_cast %swap3A_20 : i32 to index
    %swap3A_22 = arith.constant 0 : index
    %swap3A_23 = tpu.vector_load %arg12[%swap3A_21, %swap3A_22] {strides = array<i32>} : memref<4x16xf32, #tpu.memory_space<vmem>>, vector<16xf32>,
    tpu.vector_store %arg12[%swap3A_21, %swap3A_22], %broadcast_in_dim3A_8 {strides = array<i32>} : memref<4x16xf32, #tpu.memory_space<vmem>>, vector<16xf32>,
    %dma_start3A_24 = arith.constant 0 : i32
    %dma_start3A_25 = tpu.memref_slice %arg3[%mul3A_2, %dma_start3A_24] : memref<128x4096xf32, #tpu.memory_space<hbm>> -> memref<4x4096xf32, #tpu.memory_space<hbm>>
    %dma_start3A_26 = arith.constant 0 : i32
    %dma_start3A_27 = tpu.memref_slice %arg3[%mul3A_2, %dma_start3A_26] : memref<128x4096xf32, #tpu.memory_space<hbm>> -> memref<4x4096xf32, #tpu.memory_space<hbm>>
    tpu.enqueue_dma source(%dma_start3A_27 : memref<4x4096xf32, #tpu.memory_space<hbm>>) target(%arg10 : memref<4x4096xf32, #tpu.memory_space<vmem>>) target_semaphore(%arg15 : memref<!tpu.dma_semaphore, #tpu.memory_space<semaphore_mem>>)
    %dma_wait3A = arith.constant 0 : i32
    %dma_wait3A_28 = tpu.memref_slice %arg2[%mul3A_2, %dma_wait3A] : memref<128x4096xf32, #tpu.memory_space<hbm>> -> memref<4x4096xf32, #tpu.memory_space<hbm>>
    %dma_wait3A_29 = arith.constant 0 : i32
    %dma_wait3A_30 = tpu.memref_slice %arg2[%mul3A_2, %dma_wait3A_29] : memref<128x4096xf32, #tpu.memory_space<hbm>> -> memref<4x4096xf32, #tpu.memory_space<hbm>>
    tpu.wait_dma2 semaphore(%arg14 : memref<!tpu.dma_semaphore, #tpu.memory_space<semaphore_mem>>) src(%dma_wait3A_30 : memref<4x4096xf32, #tpu.memory_space<hbm>>) dst(%arg9 : memref<4x4096xf32, #tpu.memory_space<vmem>>)
    %scan3A = arith.constant 0xFF800000 : f32
    %scan3A_31 = arith.constant 0 : i32
    %scan3A_32 = arith.constant 4 : i32
    %scan3A_33 = arith.addi %scan3A_31, %scan3A_32 : i32
    %scan3A_34 = arith.constant 1 : i32
    %scan3A_35 = scf.for %scan3A_80 = %scan3A_31 to %scan3A_33 step %scan3A_34 iter_args(%scan3A_81 = %scan3A) -> (f32)  : i32 {
      %broadcast_in_dim3A_82 = vector.broadcast %scan3A_80 : i32 to vector<16xi32>
      %add3A_83 = arith.addi %mul3A_2, %scan3A_80 : i32
      %broadcast_in_dim3A_84 = vector.broadcast %add3A_83 : i32 to vector<16xi32>
      %gather3A = tpu.vector_load_idx %arg11[%broadcast_in_dim3A_84] : memref<128xi32, #tpu.memory_space<vmem>>[vector<16xi32>], vector<16xi32>,
      %parallel_loop3A = arith.constant 0 : i32
      %parallel_loop3A_85 = arith.constant 256 : i32
      %parallel_loop3A_86 = arith.constant 16 : i32
      %parallel_loop3A_87:8 = scf.for %parallel_loop3A_109 = %parallel_loop3A to %parallel_loop3A_85 step %parallel_loop3A_86 iter_args(%parallel_loop3A_110 = %broadcast_in_dim3A_6, %parallel_loop3A_111 = %broadcast_in_dim3A_6, %parallel_loop3A_112 = %broadcast_in_dim3A_6, %parallel_loop3A_113 = %broadcast_in_dim3A_6, %parallel_loop3A_114 = %broadcast_in_dim3A_6, %parallel_loop3A_115 = %broadcast_in_dim3A_6, %parallel_loop3A_116 = %broadcast_in_dim3A_6, %parallel_loop3A_117 = %broadcast_in_dim3A_6) -> (vector<16xf32>, vector<16xf32>, vector<16xf32>, vector<16xf32>, vector<16xf32>, vector<16xf32>, vector<16xf32>, vector<16xf32>)  : i32 {
        %parallel_loop3A_118 = arith.constant 16 : i32
        %parallel_loop3A_119 = arith.muli %parallel_loop3A_109, %parallel_loop3A_118 : i32
        %parallel_loop3A_120 = arith.constant 0 : i32
        %parallel_loop3A_121 = arith.addi %parallel_loop3A_119, %parallel_loop3A_120 : i32
        %parallel_loop3A_122 = arith.index_cast %scan3A_80 : i32 to index
        %parallel_loop3A_123 = arith.index_cast %parallel_loop3A_121 : i32 to index
        %parallel_loop3A_124 = tpu.vector_load %arg9[%parallel_loop3A_122, %parallel_loop3A_123] {strides = array<i32>} : memref<4x4096xf32, #tpu.memory_space<vmem>>, vector<16xf32>,
        %parallel_loop3A_125 = arith.maximumf %parallel_loop3A_110, %parallel_loop3A_124 : vector<16xf32>
        %parallel_loop3A_126 = arith.constant 16 : i32
        %parallel_loop3A_127 = arith.addi %parallel_loop3A_119, %parallel_loop3A_126 : i32
        %parallel_loop3A_128 = arith.index_cast %scan3A_80 : i32 to index
        %parallel_loop3A_129 = arith.index_cast %parallel_loop3A_127 : i32 to index
        %parallel_loop3A_130 = tpu.vector_load %arg9[%parallel_loop3A_128, %parallel_loop3A_129] {strides = array<i32>} : memref<4x4096xf32, #tpu.memory_space<vmem>>, vector<16xf32>,
        %parallel_loop3A_131 = arith.maximumf %parallel_loop3A_111, %parallel_loop3A_130 : vector<16xf32>
        %parallel_loop3A_132 = arith.constant 32 : i32
        %parallel_loop3A_133 = arith.addi %parallel_loop3A_119, %parallel_loop3A_132 : i32
        %parallel_loop3A_134 = arith.index_cast %scan3A_80 : i32 to index
        %parallel_loop3A_135 = arith.index_cast %parallel_loop3A_133 : i32 to index
        %parallel_loop3A_136 = tpu.vector_load %arg9[%parallel_loop3A_134, %parallel_loop3A_135] {strides = array<i32>} : memref<4x4096xf32, #tpu.memory_space<vmem>>, vector<16xf32>,
        %parallel_loop3A_137 = arith.maximumf %parallel_loop3A_112, %parallel_loop3A_136 : vector<16xf32>
        %parallel_loop3A_138 = arith.constant 48 : i32
        %parallel_loop3A_139 = arith.addi %parallel_loop3A_119, %parallel_loop3A_138 : i32
        %parallel_loop3A_140 = arith.index_cast %scan3A_80 : i32 to index
        %parallel_loop3A_141 = arith.index_cast %parallel_loop3A_139 : i32 to index
        %parallel_loop3A_142 = tpu.vector_load %arg9[%parallel_loop3A_140, %parallel_loop3A_141] {strides = array<i32>} : memref<4x4096xf32, #tpu.memory_space<vmem>>, vector<16xf32>,
        %parallel_loop3A_143 = arith.maximumf %parallel_loop3A_113, %parallel_loop3A_142 : vector<16xf32>
        %parallel_loop3A_144 = arith.constant 64 : i32
        %parallel_loop3A_145 = arith.addi %parallel_loop3A_119, %parallel_loop3A_144 : i32
        %parallel_loop3A_146 = arith.index_cast %scan3A_80 : i32 to index
        %parallel_loop3A_147 = arith.index_cast %parallel_loop3A_145 : i32 to index
        %parallel_loop3A_148 = tpu.vector_load %arg9[%parallel_loop3A_146, %parallel_loop3A_147] {strides = array<i32>} : memref<4x4096xf32, #tpu.memory_space<vmem>>, vector<16xf32>,
        %parallel_loop3A_149 = arith.maximumf %parallel_loop3A_114, %parallel_loop3A_148 : vector<16xf32>
        %parallel_loop3A_150 = arith.constant 80 : i32
        %parallel_loop3A_151 = arith.addi %parallel_loop3A_119, %parallel_loop3A_150 : i32
        %parallel_loop3A_152 = arith.index_cast %scan3A_80 : i32 to index
        %parallel_loop3A_153 = arith.index_cast %parallel_loop3A_151 : i32 to index
        %parallel_loop3A_154 = tpu.vector_load %arg9[%parallel_loop3A_152, %parallel_loop3A_153] {strides = array<i32>} : memref<4x4096xf32, #tpu.memory_space<vmem>>, vector<16xf32>,
        %parallel_loop3A_155 = arith.maximumf %parallel_loop3A_115, %parallel_loop3A_154 : vector<16xf32>
        %parallel_loop3A_156 = arith.constant 96 : i32
        %parallel_loop3A_157 = arith.addi %parallel_loop3A_119, %parallel_loop3A_156 : i32
        %parallel_loop3A_158 = arith.index_cast %scan3A_80 : i32 to index
        %parallel_loop3A_159 = arith.index_cast %parallel_loop3A_157 : i32 to index
        %parallel_loop3A_160 = tpu.vector_load %arg9[%parallel_loop3A_158, %parallel_loop3A_159] {strides = array<i32>} : memref<4x4096xf32, #tpu.memory_space<vmem>>, vector<16xf32>,
        %parallel_loop3A_161 = arith.maximumf %parallel_loop3A_116, %parallel_loop3A_160 : vector<16xf32>
        %parallel_loop3A_162 = arith.constant 112 : i32
        %parallel_loop3A_163 = arith.addi %parallel_loop3A_119, %parallel_loop3A_162 : i32
        %parallel_loop3A_164 = arith.index_cast %scan3A_80 : i32 to index
        %parallel_loop3A_165 = arith.index_cast %parallel_loop3A_163 : i32 to index
        %parallel_loop3A_166 = tpu.vector_load %arg9[%parallel_loop3A_164, %parallel_loop3A_165] {strides = array<i32>} : memref<4x4096xf32, #tpu.memory_space<vmem>>, vector<16xf32>,
        %parallel_loop3A_167 = arith.maximumf %parallel_loop3A_117, %parallel_loop3A_166 : vector<16xf32>
        %parallel_loop3A_168 = arith.constant 128 : i32
        %parallel_loop3A_169 = arith.addi %parallel_loop3A_119, %parallel_loop3A_168 : i32
        %parallel_loop3A_170 = arith.index_cast %scan3A_80 : i32 to index
        %parallel_loop3A_171 = arith.index_cast %parallel_loop3A_169 : i32 to index
        %parallel_loop3A_172 = tpu.vector_load %arg9[%parallel_loop3A_170, %parallel_loop3A_171] {strides = array<i32>} : memref<4x4096xf32, #tpu.memory_space<vmem>>, vector<16xf32>,
        %parallel_loop3A_173 = arith.maximumf %parallel_loop3A_125, %parallel_loop3A_172 : vector<16xf32>
        %parallel_loop3A_174 = arith.constant 144 : i32
        %parallel_loop3A_175 = arith.addi %parallel_loop3A_119, %parallel_loop3A_174 : i32
        %parallel_loop3A_176 = arith.index_cast %scan3A_80 : i32 to index
        %parallel_loop3A_177 = arith.index_cast %parallel_loop3A_175 : i32 to index
        %parallel_loop3A_178 = tpu.vector_load %arg9[%parallel_loop3A_176, %parallel_loop3A_177] {strides = array<i32>} : memref<4x4096xf32, #tpu.memory_space<vmem>>, vector<16xf32>,
        %parallel_loop3A_179 = arith.maximumf %parallel_loop3A_131, %parallel_loop3A_178 : vector<16xf32>
        %parallel_loop3A_180 = arith.constant 160 : i32
        %parallel_loop3A_181 = arith.addi %parallel_loop3A_119, %parallel_loop3A_180 : i32
        %parallel_loop3A_182 = arith.index_cast %scan3A_80 : i32 to index
        %parallel_loop3A_183 = arith.index_cast %parallel_loop3A_181 : i32 to index
        %parallel_loop3A_184 = tpu.vector_load %arg9[%parallel_loop3A_182, %parallel_loop3A_183] {strides = array<i32>} : memref<4x4096xf32, #tpu.memory_space<vmem>>, vector<16xf32>,
        %parallel_loop3A_185 = arith.maximumf %parallel_loop3A_137, %parallel_loop3A_184 : vector<16xf32>
        %parallel_loop3A_186 = arith.constant 176 : i32
        %parallel_loop3A_187 = arith.addi %parallel_loop3A_119, %parallel_loop3A_186 : i32
        %parallel_loop3A_188 = arith.index_cast %scan3A_80 : i32 to index
        %parallel_loop3A_189 = arith.index_cast %parallel_loop3A_187 : i32 to index
        %parallel_loop3A_190 = tpu.vector_load %arg9[%parallel_loop3A_188, %parallel_loop3A_189] {strides = array<i32>} : memref<4x4096xf32, #tpu.memory_space<vmem>>, vector<16xf32>,
        %parallel_loop3A_191 = arith.maximumf %parallel_loop3A_143, %parallel_loop3A_190 : vector<16xf32>
        %parallel_loop3A_192 = arith.constant 192 : i32
        %parallel_loop3A_193 = arith.addi %parallel_loop3A_119, %parallel_loop3A_192 : i32
        %parallel_loop3A_194 = arith.index_cast %scan3A_80 : i32 to index
        %parallel_loop3A_195 = arith.index_cast %parallel_loop3A_193 : i32 to index
        %parallel_loop3A_196 = tpu.vector_load %arg9[%parallel_loop3A_194, %parallel_loop3A_195] {strides = array<i32>} : memref<4x4096xf32, #tpu.memory_space<vmem>>, vector<16xf32>,
        %parallel_loop3A_197 = arith.maximumf %parallel_loop3A_149, %parallel_loop3A_196 : vector<16xf32>
        %parallel_loop3A_198 = arith.constant 208 : i32
        %parallel_loop3A_199 = arith.addi %parallel_loop3A_119, %parallel_loop3A_198 : i32
        %parallel_loop3A_200 = arith.index_cast %scan3A_80 : i32 to index
        %parallel_loop3A_201 = arith.index_cast %parallel_loop3A_199 : i32 to index
        %parallel_loop3A_202 = tpu.vector_load %arg9[%parallel_loop3A_200, %parallel_loop3A_201] {strides = array<i32>} : memref<4x4096xf32, #tpu.memory_space<vmem>>, vector<16xf32>,
        %parallel_loop3A_203 = arith.maximumf %parallel_loop3A_155, %parallel_loop3A_202 : vector<16xf32>
        %parallel_loop3A_204 = arith.constant 224 : i32
        %parallel_loop3A_205 = arith.addi %parallel_loop3A_119, %parallel_loop3A_204 : i32
        %parallel_loop3A_206 = arith.index_cast %scan3A_80 : i32 to index
        %parallel_loop3A_207 = arith.index_cast %parallel_loop3A_205 : i32 to index
        %parallel_loop3A_208 = tpu.vector_load %arg9[%parallel_loop3A_206, %parallel_loop3A_207] {strides = array<i32>} : memref<4x4096xf32, #tpu.memory_space<vmem>>, vector<16xf32>,
        %parallel_loop3A_209 = arith.maximumf %parallel_loop3A_161, %parallel_loop3A_208 : vector<16xf32>
        %parallel_loop3A_210 = arith.constant 240 : i32
        %parallel_loop3A_211 = arith.addi %parallel_loop3A_119, %parallel_loop3A_210 : i32
        %parallel_loop3A_212 = arith.index_cast %scan3A_80 : i32 to index
        %parallel_loop3A_213 = arith.index_cast %parallel_loop3A_211 : i32 to index
        %parallel_loop3A_214 = tpu.vector_load %arg9[%parallel_loop3A_212, %parallel_loop3A_213] {strides = array<i32>} : memref<4x4096xf32, #tpu.memory_space<vmem>>, vector<16xf32>,
        %parallel_loop3A_215 = arith.maximumf %parallel_loop3A_167, %parallel_loop3A_214 : vector<16xf32>
        scf.yield %parallel_loop3A_173, %parallel_loop3A_179, %parallel_loop3A_185, %parallel_loop3A_191, %parallel_loop3A_197, %parallel_loop3A_203, %parallel_loop3A_209, %parallel_loop3A_215 : vector<16xf32>, vector<16xf32>, vector<16xf32>, vector<16xf32>, vector<16xf32>, vector<16xf32>, vector<16xf32>, vector<16xf32>
      } {sc.loop_unroll_factor = 2 : i64, sc.parallel_access}
      %max3A = arith.maximumf %parallel_loop3A_87#0, %parallel_loop3A_87#1 : vector<16xf32>
      %max3A_88 = arith.maximumf %max3A, %parallel_loop3A_87#2 : vector<16xf32>
      %max3A_89 = arith.maximumf %max3A_88, %parallel_loop3A_87#3 : vector<16xf32>
      %max3A_90 = arith.maximumf %max3A_89, %parallel_loop3A_87#4 : vector<16xf32>
      %max3A_91 = arith.maximumf %max3A_90, %parallel_loop3A_87#5 : vector<16xf32>
      %max3A_92 = arith.maximumf %max3A_91, %parallel_loop3A_87#6 : vector<16xf32>
      %max3A_93 = arith.maximumf %max3A_92, %parallel_loop3A_87#7 : vector<16xf32>
      %reduce_max3A = arith.constant true
      %reduce_max3A_94 = vector.broadcast %reduce_max3A : i1 to vector<16xi1>
      %reduce_max3A_95 = tpu.scan <max>, %max3A_93 masked %reduce_max3A_94 : vector<16xf32>, vector<16xi1> -> vector<16xf32>
      %reduce_max3A_96 = vector.extract %reduce_max3A_95[15] : f32 from vector<16xf32>
      %gather3A_97 = tpu.vector_load_idx %arg9[%broadcast_in_dim3A_82, %gather3A] : memref<4x4096xf32, #tpu.memory_space<vmem>>[vector<16xi32>, vector<16xi32>], vector<16xf32>,
      %slice3A = vector.extract_strided_slice %gather3A_97 {offsets = [0], sizes = [1], strides = [1]} : vector<16xf32> to vector<1xf32>
      %squeeze3A = vector.extract %slice3A[0] : f32 from vector<1xf32>
      %ge3A = arith.cmpf oge, %squeeze3A, %reduce_max3A_96 : f32
      %convert_element_type3A = arith.extui %ge3A : i1 to i32
      %cond3A = arith.constant 0 : i32
      %cond3A_98 = arith.cmpi ne, %convert_element_type3A, %cond3A : i32
      %cond3A_99 = scf.if %cond3A_98 -> (f32) {
        %and3A = arith.constant 15 : i32
        %and3A_109 = vector.broadcast %and3A : i32 to vector<16xi32>
        %and3A_110 = arith.andi %gather3A, %and3A_109 : vector<16xi32>
        %mul3A_111 = arith.constant 16 : i32
        %mul3A_112 = vector.broadcast %mul3A_111 : i32 to vector<16xi32>
        %mul3A_113 = arith.muli %iota3A, %mul3A_112 : vector<16xi32>
        %add3A_114 = arith.addi %and3A_110, %mul3A_113 : vector<16xi32>
        %scan3A_115 = arith.constant 0 : i32
        %scan3A_116 = arith.constant 4 : i32
        %scan3A_117 = arith.addi %scan3A_115, %scan3A_116 : i32
        %scan3A_118 = arith.constant 1 : i32
        %scan3A_119:4 = scf.for %scan3A_136 = %scan3A_115 to %scan3A_117 step %scan3A_118 iter_args(%scan3A_137 = %broadcast_in_dim3A_6, %scan3A_138 = %broadcast_in_dim3A_6, %scan3A_139 = %broadcast_in_dim3A_6, %scan3A_140 = %broadcast_in_dim3A_6) -> (vector<16xf32>, vector<16xf32>, vector<16xf32>, vector<16xf32>)  : i32 {
          %mul3A_141 = arith.constant 4 : i32
          %mul3A_142 = arith.muli %scan3A_136, %mul3A_141 : i32
          %add3A_143 = arith.constant 0 : i32
          %add3A_144 = arith.addi %mul3A_142, %add3A_143 : i32
          %mul3A_145 = arith.constant 256 : i32
          %mul3A_146 = arith.muli %add3A_144, %mul3A_145 : i32
          %add3A_147 = vector.broadcast %mul3A_146 : i32 to vector<16xi32>
          %add3A_148 = arith.addi %add3A_114, %add3A_147 : vector<16xi32>
          %gather3A_149 = tpu.vector_load_idx %arg9[%broadcast_in_dim3A_82, %add3A_148] : memref<4x4096xf32, #tpu.memory_space<vmem>>[vector<16xi32>, vector<16xi32>], vector<16xf32>,
          %eq3A_150 = arith.cmpi eq, %add3A_148, %gather3A : vector<16xi32>
          %jit3A_151 = arith.constant 0xFF800000 : f32
          %broadcast_in_dim3A_152 = vector.broadcast %jit3A_151 : f32 to vector<16xf32>
          %select_n3A_153 = arith.select %eq3A_150, %broadcast_in_dim3A_152, %gather3A_149 : vector<16xi1>, vector<16xf32>
          %max3A_154 = arith.maximumf %scan3A_137, %select_n3A_153 : vector<16xf32>
          %mul3A_155 = arith.constant 4 : i32
          %mul3A_156 = arith.muli %scan3A_136, %mul3A_155 : i32
          %add3A_157 = arith.constant 1 : i32
          %add3A_158 = arith.addi %mul3A_156, %add3A_157 : i32
          %mul3A_159 = arith.constant 256 : i32
          %mul3A_160 = arith.muli %add3A_158, %mul3A_159 : i32
          %add3A_161 = vector.broadcast %mul3A_160 : i32 to vector<16xi32>
          %add3A_162 = arith.addi %add3A_114, %add3A_161 : vector<16xi32>
          %gather3A_163 = tpu.vector_load_idx %arg9[%broadcast_in_dim3A_82, %add3A_162] : memref<4x4096xf32, #tpu.memory_space<vmem>>[vector<16xi32>, vector<16xi32>], vector<16xf32>,
          %eq3A_164 = arith.cmpi eq, %add3A_162, %gather3A : vector<16xi32>
          %jit3A_165 = arith.constant 0xFF800000 : f32
          %broadcast_in_dim3A_166 = vector.broadcast %jit3A_165 : f32 to vector<16xf32>
          %select_n3A_167 = arith.select %eq3A_164, %broadcast_in_dim3A_166, %gather3A_163 : vector<16xi1>, vector<16xf32>
          %max3A_168 = arith.maximumf %scan3A_138, %select_n3A_167 : vector<16xf32>
          %mul3A_169 = arith.constant 4 : i32
          %mul3A_170 = arith.muli %scan3A_136, %mul3A_169 : i32
          %add3A_171 = arith.constant 2 : i32
          %add3A_172 = arith.addi %mul3A_170, %add3A_171 : i32
          %mul3A_173 = arith.constant 256 : i32
          %mul3A_174 = arith.muli %add3A_172, %mul3A_173 : i32
          %add3A_175 = vector.broadcast %mul3A_174 : i32 to vector<16xi32>
          %add3A_176 = arith.addi %add3A_114, %add3A_175 : vector<16xi32>
          %gather3A_177 = tpu.vector_load_idx %arg9[%broadcast_in_dim3A_82, %add3A_176] : memref<4x4096xf32, #tpu.memory_space<vmem>>[vector<16xi32>, vector<16xi32>], vector<16xf32>,
          %eq3A_178 = arith.cmpi eq, %add3A_176, %gather3A : vector<16xi32>
          %jit3A_179 = arith.constant 0xFF800000 : f32
          %broadcast_in_dim3A_180 = vector.broadcast %jit3A_179 : f32 to vector<16xf32>
          %select_n3A_181 = arith.select %eq3A_178, %broadcast_in_dim3A_180, %gather3A_177 : vector<16xi1>, vector<16xf32>
          %max3A_182 = arith.maximumf %scan3A_139, %select_n3A_181 : vector<16xf32>
          %mul3A_183 = arith.constant 4 : i32
          %mul3A_184 = arith.muli %scan3A_136, %mul3A_183 : i32
          %add3A_185 = arith.constant 3 : i32
          %add3A_186 = arith.addi %mul3A_184, %add3A_185 : i32
          %mul3A_187 = arith.constant 256 : i32
          %mul3A_188 = arith.muli %add3A_186, %mul3A_187 : i32
          %add3A_189 = vector.broadcast %mul3A_188 : i32 to vector<16xi32>
          %add3A_190 = arith.addi %add3A_114, %add3A_189 : vector<16xi32>
          %gather3A_191 = tpu.vector_load_idx %arg9[%broadcast_in_dim3A_82, %add3A_190] : memref<4x4096xf32, #tpu.memory_space<vmem>>[vector<16xi32>, vector<16xi32>], vector<16xf32>,
          %eq3A_192 = arith.cmpi eq, %add3A_190, %gather3A : vector<16xi32>
          %jit3A_193 = arith.constant 0xFF800000 : f32
          %broadcast_in_dim3A_194 = vector.broadcast %jit3A_193 : f32 to vector<16xf32>
          %select_n3A_195 = arith.select %eq3A_192, %broadcast_in_dim3A_194, %gather3A_191 : vector<16xi1>, vector<16xf32>
          %max3A_196 = arith.maximumf %scan3A_140, %select_n3A_195 : vector<16xf32>
          scf.yield %max3A_154, %max3A_168, %max3A_182, %max3A_196 : vector<16xf32>, vector<16xf32>, vector<16xf32>, vector<16xf32>
        }
        %scan3A_120 = arith.constant 4 : i32
        %max3A_121 = arith.maximumf %scan3A_119#0, %scan3A_119#1 : vector<16xf32>
        %max3A_122 = arith.maximumf %scan3A_119#2, %scan3A_119#3 : vector<16xf32>
        %max3A_123 = arith.maximumf %max3A_121, %max3A_122 : vector<16xf32>
        %eq3A_124 = arith.cmpi eq, %iota3A, %and3A_110 : vector<16xi32>
        %jit3A = arith.constant 0xFF800000 : f32
        %broadcast_in_dim3A_125 = vector.broadcast %jit3A : f32 to vector<16xf32>
        %select_n3A_126 = arith.select %eq3A_124, %broadcast_in_dim3A_125, %max3A_93 : vector<16xi1>, vector<16xf32>
        %reduce_max3A_127 = arith.constant true
        %reduce_max3A_128 = vector.broadcast %reduce_max3A_127 : i1 to vector<16xi1>
        %reduce_max3A_129 = tpu.scan <max>, %select_n3A_126 masked %reduce_max3A_128 : vector<16xf32>, vector<16xi1> -> vector<16xf32>
        %reduce_max3A_130 = vector.extract %reduce_max3A_129[15] : f32 from vector<16xf32>
        %reduce_max3A_131 = arith.constant true
        %reduce_max3A_132 = vector.broadcast %reduce_max3A_131 : i1 to vector<16xi1>
        %reduce_max3A_133 = tpu.scan <max>, %max3A_123 masked %reduce_max3A_132 : vector<16xf32>, vector<16xi1> -> vector<16xf32>
        %reduce_max3A_134 = vector.extract %reduce_max3A_133[15] : f32 from vector<16xf32>
        %max3A_135 = arith.maximumf %reduce_max3A_130, %reduce_max3A_134 : f32
        %sub3A = arith.subf %reduce_max3A_96, %max3A_135 : f32
        scf.yield %sub3A : f32
      } else {
        %cond3A_109 = arith.constant 0.000000e+00 : f32
        scf.yield %cond3A_109 : f32
      }
      %get3A = arith.index_cast %scan3A_80 : i32 to index
      %get3A_100 = arith.constant 0 : index
      %get3A_101 = tpu.vector_load %arg12[%get3A, %get3A_100] {strides = array<i32>} : memref<4x16xf32, #tpu.memory_space<vmem>>, vector<16xf32>,
      %eq3A = arith.constant 0 : i32
      %eq3A_102 = vector.broadcast %eq3A : i32 to vector<16xi32>
      %eq3A_103 = arith.cmpi eq, %iota3A, %eq3A_102 : vector<16xi32>
      %broadcast_in_dim3A_104 = vector.broadcast %cond3A_99 : f32 to vector<16xf32>
      %select_n3A = arith.select %eq3A_103, %broadcast_in_dim3A_104, %get3A_101 : vector<16xi1>, vector<16xf32>
      %swap3A_105 = arith.index_cast %scan3A_80 : i32 to index
      %swap3A_106 = arith.constant 0 : index
      %swap3A_107 = tpu.vector_load %arg12[%swap3A_105, %swap3A_106] {strides = array<i32>} : memref<4x16xf32, #tpu.memory_space<vmem>>, vector<16xf32>,
      tpu.vector_store %arg12[%swap3A_105, %swap3A_106], %select_n3A {strides = array<i32>} : memref<4x16xf32, #tpu.memory_space<vmem>>, vector<16xf32>,
      %max3A_108 = arith.maximumf %scan3A_81, %reduce_max3A_96 : f32
      scf.yield %max3A_108 : f32
    }
    %scan3A_36 = arith.constant 4 : i32
    %dma_start3A_37 = arith.constant 0 : i32
    %dma_start3A_38 = tpu.memref_slice %arg4[%mul3A_2, %dma_start3A_37] : memref<128x4096xf32, #tpu.memory_space<hbm>> -> memref<4x4096xf32, #tpu.memory_space<hbm>>
    %dma_start3A_39 = arith.constant 0 : i32
    %dma_start3A_40 = tpu.memref_slice %arg4[%mul3A_2, %dma_start3A_39] : memref<128x4096xf32, #tpu.memory_space<hbm>> -> memref<4x4096xf32, #tpu.memory_space<hbm>>
    tpu.enqueue_dma source(%dma_start3A_40 : memref<4x4096xf32, #tpu.memory_space<hbm>>) target(%arg9 : memref<4x4096xf32, #tpu.memory_space<vmem>>) target_semaphore(%arg14 : memref<!tpu.dma_semaphore, #tpu.memory_space<semaphore_mem>>)
    %dma_wait3A_41 = arith.constant 0 : i32
    %dma_wait3A_42 = tpu.memref_slice %arg3[%mul3A_2, %dma_wait3A_41] : memref<128x4096xf32, #tpu.memory_space<hbm>> -> memref<4x4096xf32, #tpu.memory_space<hbm>>
    %dma_wait3A_43 = arith.constant 0 : i32
    %dma_wait3A_44 = tpu.memref_slice %arg3[%mul3A_2, %dma_wait3A_43] : memref<128x4096xf32, #tpu.memory_space<hbm>> -> memref<4x4096xf32, #tpu.memory_space<hbm>>
    tpu.wait_dma2 semaphore(%arg15 : memref<!tpu.dma_semaphore, #tpu.memory_space<semaphore_mem>>) src(%dma_wait3A_44 : memref<4x4096xf32, #tpu.memory_space<hbm>>) dst(%arg10 : memref<4x4096xf32, #tpu.memory_space<vmem>>)
    %scan3A_45 = arith.constant 0 : i32
    %scan3A_46 = arith.constant 4 : i32
    %scan3A_47 = arith.addi %scan3A_45, %scan3A_46 : i32
    %scan3A_48 = arith.constant 1 : i32
    %scan3A_49 = scf.for %scan3A_80 = %scan3A_45 to %scan3A_47 step %scan3A_48 iter_args(%scan3A_81 = %scan3A_35) -> (f32)  : i32 {
      %broadcast_in_dim3A_82 = vector.broadcast %scan3A_80 : i32 to vector<16xi32>
      %add3A_83 = arith.addi %mul3A_2, %scan3A_80 : i32
      %broadcast_in_dim3A_84 = vector.broadcast %add3A_83 : i32 to vector<16xi32>
      %gather3A = tpu.vector_load_idx %arg11[%broadcast_in_dim3A_84] : memref<128xi32, #tpu.memory_space<vmem>>[vector<16xi32>], vector<16xi32>,
      %parallel_loop3A = arith.constant 0 : i32
      %parallel_loop3A_85 = arith.constant 256 : i32
      %parallel_loop3A_86 = arith.constant 16 : i32
      %parallel_loop3A_87:8 = scf.for %parallel_loop3A_109 = %parallel_loop3A to %parallel_loop3A_85 step %parallel_loop3A_86 iter_args(%parallel_loop3A_110 = %broadcast_in_dim3A_6, %parallel_loop3A_111 = %broadcast_in_dim3A_6, %parallel_loop3A_112 = %broadcast_in_dim3A_6, %parallel_loop3A_113 = %broadcast_in_dim3A_6, %parallel_loop3A_114 = %broadcast_in_dim3A_6, %parallel_loop3A_115 = %broadcast_in_dim3A_6, %parallel_loop3A_116 = %broadcast_in_dim3A_6, %parallel_loop3A_117 = %broadcast_in_dim3A_6) -> (vector<16xf32>, vector<16xf32>, vector<16xf32>, vector<16xf32>, vector<16xf32>, vector<16xf32>, vector<16xf32>, vector<16xf32>)  : i32 {
        %parallel_loop3A_118 = arith.constant 16 : i32
        %parallel_loop3A_119 = arith.muli %parallel_loop3A_109, %parallel_loop3A_118 : i32
        %parallel_loop3A_120 = arith.constant 0 : i32
        %parallel_loop3A_121 = arith.addi %parallel_loop3A_119, %parallel_loop3A_120 : i32
        %parallel_loop3A_122 = arith.index_cast %scan3A_80 : i32 to index
        %parallel_loop3A_123 = arith.index_cast %parallel_loop3A_121 : i32 to index
        %parallel_loop3A_124 = tpu.vector_load %arg10[%parallel_loop3A_122, %parallel_loop3A_123] {strides = array<i32>} : memref<4x4096xf32, #tpu.memory_space<vmem>>, vector<16xf32>,
        %parallel_loop3A_125 = arith.maximumf %parallel_loop3A_110, %parallel_loop3A_124 : vector<16xf32>
        %parallel_loop3A_126 = arith.constant 16 : i32
        %parallel_loop3A_127 = arith.addi %parallel_loop3A_119, %parallel_loop3A_126 : i32
        %parallel_loop3A_128 = arith.index_cast %scan3A_80 : i32 to index
        %parallel_loop3A_129 = arith.index_cast %parallel_loop3A_127 : i32 to index
        %parallel_loop3A_130 = tpu.vector_load %arg10[%parallel_loop3A_128, %parallel_loop3A_129] {strides = array<i32>} : memref<4x4096xf32, #tpu.memory_space<vmem>>, vector<16xf32>,
        %parallel_loop3A_131 = arith.maximumf %parallel_loop3A_111, %parallel_loop3A_130 : vector<16xf32>
        %parallel_loop3A_132 = arith.constant 32 : i32
        %parallel_loop3A_133 = arith.addi %parallel_loop3A_119, %parallel_loop3A_132 : i32
        %parallel_loop3A_134 = arith.index_cast %scan3A_80 : i32 to index
        %parallel_loop3A_135 = arith.index_cast %parallel_loop3A_133 : i32 to index
        %parallel_loop3A_136 = tpu.vector_load %arg10[%parallel_loop3A_134, %parallel_loop3A_135] {strides = array<i32>} : memref<4x4096xf32, #tpu.memory_space<vmem>>, vector<16xf32>,
        %parallel_loop3A_137 = arith.maximumf %parallel_loop3A_112, %parallel_loop3A_136 : vector<16xf32>
        %parallel_loop3A_138 = arith.constant 48 : i32
        %parallel_loop3A_139 = arith.addi %parallel_loop3A_119, %parallel_loop3A_138 : i32
        %parallel_loop3A_140 = arith.index_cast %scan3A_80 : i32 to index
        %parallel_loop3A_141 = arith.index_cast %parallel_loop3A_139 : i32 to index
        %parallel_loop3A_142 = tpu.vector_load %arg10[%parallel_loop3A_140, %parallel_loop3A_141] {strides = array<i32>} : memref<4x4096xf32, #tpu.memory_space<vmem>>, vector<16xf32>,
        %parallel_loop3A_143 = arith.maximumf %parallel_loop3A_113, %parallel_loop3A_142 : vector<16xf32>
        %parallel_loop3A_144 = arith.constant 64 : i32
        %parallel_loop3A_145 = arith.addi %parallel_loop3A_119, %parallel_loop3A_144 : i32
        %parallel_loop3A_146 = arith.index_cast %scan3A_80 : i32 to index
        %parallel_loop3A_147 = arith.index_cast %parallel_loop3A_145 : i32 to index
        %parallel_loop3A_148 = tpu.vector_load %arg10[%parallel_loop3A_146, %parallel_loop3A_147] {strides = array<i32>} : memref<4x4096xf32, #tpu.memory_space<vmem>>, vector<16xf32>,
        %parallel_loop3A_149 = arith.maximumf %parallel_loop3A_114, %parallel_loop3A_148 : vector<16xf32>
        %parallel_loop3A_150 = arith.constant 80 : i32
        %parallel_loop3A_151 = arith.addi %parallel_loop3A_119, %parallel_loop3A_150 : i32
        %parallel_loop3A_152 = arith.index_cast %scan3A_80 : i32 to index
        %parallel_loop3A_153 = arith.index_cast %parallel_loop3A_151 : i32 to index
        %parallel_loop3A_154 = tpu.vector_load %arg10[%parallel_loop3A_152, %parallel_loop3A_153] {strides = array<i32>} : memref<4x4096xf32, #tpu.memory_space<vmem>>, vector<16xf32>,
        %parallel_loop3A_155 = arith.maximumf %parallel_loop3A_115, %parallel_loop3A_154 : vector<16xf32>
        %parallel_loop3A_156 = arith.constant 96 : i32
        %parallel_loop3A_157 = arith.addi %parallel_loop3A_119, %parallel_loop3A_156 : i32
        %parallel_loop3A_158 = arith.index_cast %scan3A_80 : i32 to index
        %parallel_loop3A_159 = arith.index_cast %parallel_loop3A_157 : i32 to index
        %parallel_loop3A_160 = tpu.vector_load %arg10[%parallel_loop3A_158, %parallel_loop3A_159] {strides = array<i32>} : memref<4x4096xf32, #tpu.memory_space<vmem>>, vector<16xf32>,
        %parallel_loop3A_161 = arith.maximumf %parallel_loop3A_116, %parallel_loop3A_160 : vector<16xf32>
        %parallel_loop3A_162 = arith.constant 112 : i32
        %parallel_loop3A_163 = arith.addi %parallel_loop3A_119, %parallel_loop3A_162 : i32
        %parallel_loop3A_164 = arith.index_cast %scan3A_80 : i32 to index
        %parallel_loop3A_165 = arith.index_cast %parallel_loop3A_163 : i32 to index
        %parallel_loop3A_166 = tpu.vector_load %arg10[%parallel_loop3A_164, %parallel_loop3A_165] {strides = array<i32>} : memref<4x4096xf32, #tpu.memory_space<vmem>>, vector<16xf32>,
        %parallel_loop3A_167 = arith.maximumf %parallel_loop3A_117, %parallel_loop3A_166 : vector<16xf32>
        %parallel_loop3A_168 = arith.constant 128 : i32
        %parallel_loop3A_169 = arith.addi %parallel_loop3A_119, %parallel_loop3A_168 : i32
        %parallel_loop3A_170 = arith.index_cast %scan3A_80 : i32 to index
        %parallel_loop3A_171 = arith.index_cast %parallel_loop3A_169 : i32 to index
        %parallel_loop3A_172 = tpu.vector_load %arg10[%parallel_loop3A_170, %parallel_loop3A_171] {strides = array<i32>} : memref<4x4096xf32, #tpu.memory_space<vmem>>, vector<16xf32>,
        %parallel_loop3A_173 = arith.maximumf %parallel_loop3A_125, %parallel_loop3A_172 : vector<16xf32>
        %parallel_loop3A_174 = arith.constant 144 : i32
        %parallel_loop3A_175 = arith.addi %parallel_loop3A_119, %parallel_loop3A_174 : i32
        %parallel_loop3A_176 = arith.index_cast %scan3A_80 : i32 to index
        %parallel_loop3A_177 = arith.index_cast %parallel_loop3A_175 : i32 to index
        %parallel_loop3A_178 = tpu.vector_load %arg10[%parallel_loop3A_176, %parallel_loop3A_177] {strides = array<i32>} : memref<4x4096xf32, #tpu.memory_space<vmem>>, vector<16xf32>,
        %parallel_loop3A_179 = arith.maximumf %parallel_loop3A_131, %parallel_loop3A_178 : vector<16xf32>
        %parallel_loop3A_180 = arith.constant 160 : i32
        %parallel_loop3A_181 = arith.addi %parallel_loop3A_119, %parallel_loop3A_180 : i32
        %parallel_loop3A_182 = arith.index_cast %scan3A_80 : i32 to index
        %parallel_loop3A_183 = arith.index_cast %parallel_loop3A_181 : i32 to index
        %parallel_loop3A_184 = tpu.vector_load %arg10[%parallel_loop3A_182, %parallel_loop3A_183] {strides = array<i32>} : memref<4x4096xf32, #tpu.memory_space<vmem>>, vector<16xf32>,
        %parallel_loop3A_185 = arith.maximumf %parallel_loop3A_137, %parallel_loop3A_184 : vector<16xf32>
        %parallel_loop3A_186 = arith.constant 176 : i32
        %parallel_loop3A_187 = arith.addi %parallel_loop3A_119, %parallel_loop3A_186 : i32
        %parallel_loop3A_188 = arith.index_cast %scan3A_80 : i32 to index
        %parallel_loop3A_189 = arith.index_cast %parallel_loop3A_187 : i32 to index
        %parallel_loop3A_190 = tpu.vector_load %arg10[%parallel_loop3A_188, %parallel_loop3A_189] {strides = array<i32>} : memref<4x4096xf32, #tpu.memory_space<vmem>>, vector<16xf32>,
        %parallel_loop3A_191 = arith.maximumf %parallel_loop3A_143, %parallel_loop3A_190 : vector<16xf32>
        %parallel_loop3A_192 = arith.constant 192 : i32
        %parallel_loop3A_193 = arith.addi %parallel_loop3A_119, %parallel_loop3A_192 : i32
        %parallel_loop3A_194 = arith.index_cast %scan3A_80 : i32 to index
        %parallel_loop3A_195 = arith.index_cast %parallel_loop3A_193 : i32 to index
        %parallel_loop3A_196 = tpu.vector_load %arg10[%parallel_loop3A_194, %parallel_loop3A_195] {strides = array<i32>} : memref<4x4096xf32, #tpu.memory_space<vmem>>, vector<16xf32>,
        %parallel_loop3A_197 = arith.maximumf %parallel_loop3A_149, %parallel_loop3A_196 : vector<16xf32>
        %parallel_loop3A_198 = arith.constant 208 : i32
        %parallel_loop3A_199 = arith.addi %parallel_loop3A_119, %parallel_loop3A_198 : i32
        %parallel_loop3A_200 = arith.index_cast %scan3A_80 : i32 to index
        %parallel_loop3A_201 = arith.index_cast %parallel_loop3A_199 : i32 to index
        %parallel_loop3A_202 = tpu.vector_load %arg10[%parallel_loop3A_200, %parallel_loop3A_201] {strides = array<i32>} : memref<4x4096xf32, #tpu.memory_space<vmem>>, vector<16xf32>,
        %parallel_loop3A_203 = arith.maximumf %parallel_loop3A_155, %parallel_loop3A_202 : vector<16xf32>
        %parallel_loop3A_204 = arith.constant 224 : i32
        %parallel_loop3A_205 = arith.addi %parallel_loop3A_119, %parallel_loop3A_204 : i32
        %parallel_loop3A_206 = arith.index_cast %scan3A_80 : i32 to index
        %parallel_loop3A_207 = arith.index_cast %parallel_loop3A_205 : i32 to index
        %parallel_loop3A_208 = tpu.vector_load %arg10[%parallel_loop3A_206, %parallel_loop3A_207] {strides = array<i32>} : memref<4x4096xf32, #tpu.memory_space<vmem>>, vector<16xf32>,
        %parallel_loop3A_209 = arith.maximumf %parallel_loop3A_161, %parallel_loop3A_208 : vector<16xf32>
        %parallel_loop3A_210 = arith.constant 240 : i32
        %parallel_loop3A_211 = arith.addi %parallel_loop3A_119, %parallel_loop3A_210 : i32
        %parallel_loop3A_212 = arith.index_cast %scan3A_80 : i32 to index
        %parallel_loop3A_213 = arith.index_cast %parallel_loop3A_211 : i32 to index
        %parallel_loop3A_214 = tpu.vector_load %arg10[%parallel_loop3A_212, %parallel_loop3A_213] {strides = array<i32>} : memref<4x4096xf32, #tpu.memory_space<vmem>>, vector<16xf32>,
        %parallel_loop3A_215 = arith.maximumf %parallel_loop3A_167, %parallel_loop3A_214 : vector<16xf32>
        scf.yield %parallel_loop3A_173, %parallel_loop3A_179, %parallel_loop3A_185, %parallel_loop3A_191, %parallel_loop3A_197, %parallel_loop3A_203, %parallel_loop3A_209, %parallel_loop3A_215 : vector<16xf32>, vector<16xf32>, vector<16xf32>, vector<16xf32>, vector<16xf32>, vector<16xf32>, vector<16xf32>, vector<16xf32>
      } {sc.loop_unroll_factor = 2 : i64, sc.parallel_access}
      %max3A = arith.maximumf %parallel_loop3A_87#0, %parallel_loop3A_87#1 : vector<16xf32>
      %max3A_88 = arith.maximumf %max3A, %parallel_loop3A_87#2 : vector<16xf32>
      %max3A_89 = arith.maximumf %max3A_88, %parallel_loop3A_87#3 : vector<16xf32>
      %max3A_90 = arith.maximumf %max3A_89, %parallel_loop3A_87#4 : vector<16xf32>
      %max3A_91 = arith.maximumf %max3A_90, %parallel_loop3A_87#5 : vector<16xf32>
      %max3A_92 = arith.maximumf %max3A_91, %parallel_loop3A_87#6 : vector<16xf32>
      %max3A_93 = arith.maximumf %max3A_92, %parallel_loop3A_87#7 : vector<16xf32>
      %reduce_max3A = arith.constant true
      %reduce_max3A_94 = vector.broadcast %reduce_max3A : i1 to vector<16xi1>
      %reduce_max3A_95 = tpu.scan <max>, %max3A_93 masked %reduce_max3A_94 : vector<16xf32>, vector<16xi1> -> vector<16xf32>
      %reduce_max3A_96 = vector.extract %reduce_max3A_95[15] : f32 from vector<16xf32>
      %gather3A_97 = tpu.vector_load_idx %arg10[%broadcast_in_dim3A_82, %gather3A] : memref<4x4096xf32, #tpu.memory_space<vmem>>[vector<16xi32>, vector<16xi32>], vector<16xf32>,
      %slice3A = vector.extract_strided_slice %gather3A_97 {offsets = [0], sizes = [1], strides = [1]} : vector<16xf32> to vector<1xf32>
      %squeeze3A = vector.extract %slice3A[0] : f32 from vector<1xf32>
      %ge3A = arith.cmpf oge, %squeeze3A, %reduce_max3A_96 : f32
      %convert_element_type3A = arith.extui %ge3A : i1 to i32
      %cond3A = arith.constant 0 : i32
      %cond3A_98 = arith.cmpi ne, %convert_element_type3A, %cond3A : i32
      %cond3A_99 = scf.if %cond3A_98 -> (f32) {
        %and3A = arith.constant 15 : i32
        %and3A_109 = vector.broadcast %and3A : i32 to vector<16xi32>
        %and3A_110 = arith.andi %gather3A, %and3A_109 : vector<16xi32>
        %mul3A_111 = arith.constant 16 : i32
        %mul3A_112 = vector.broadcast %mul3A_111 : i32 to vector<16xi32>
        %mul3A_113 = arith.muli %iota3A, %mul3A_112 : vector<16xi32>
        %add3A_114 = arith.addi %and3A_110, %mul3A_113 : vector<16xi32>
        %scan3A_115 = arith.constant 0 : i32
        %scan3A_116 = arith.constant 4 : i32
        %scan3A_117 = arith.addi %scan3A_115, %scan3A_116 : i32
        %scan3A_118 = arith.constant 1 : i32
        %scan3A_119:4 = scf.for %scan3A_136 = %scan3A_115 to %scan3A_117 step %scan3A_118 iter_args(%scan3A_137 = %broadcast_in_dim3A_6, %scan3A_138 = %broadcast_in_dim3A_6, %scan3A_139 = %broadcast_in_dim3A_6, %scan3A_140 = %broadcast_in_dim3A_6) -> (vector<16xf32>, vector<16xf32>, vector<16xf32>, vector<16xf32>)  : i32 {
          %mul3A_141 = arith.constant 4 : i32
          %mul3A_142 = arith.muli %scan3A_136, %mul3A_141 : i32
          %add3A_143 = arith.constant 0 : i32
          %add3A_144 = arith.addi %mul3A_142, %add3A_143 : i32
          %mul3A_145 = arith.constant 256 : i32
          %mul3A_146 = arith.muli %add3A_144, %mul3A_145 : i32
          %add3A_147 = vector.broadcast %mul3A_146 : i32 to vector<16xi32>
          %add3A_148 = arith.addi %add3A_114, %add3A_147 : vector<16xi32>
          %gather3A_149 = tpu.vector_load_idx %arg10[%broadcast_in_dim3A_82, %add3A_148] : memref<4x4096xf32, #tpu.memory_space<vmem>>[vector<16xi32>, vector<16xi32>], vector<16xf32>,
          %eq3A_150 = arith.cmpi eq, %add3A_148, %gather3A : vector<16xi32>
          %jit3A_151 = arith.constant 0xFF800000 : f32
          %broadcast_in_dim3A_152 = vector.broadcast %jit3A_151 : f32 to vector<16xf32>
          %select_n3A_153 = arith.select %eq3A_150, %broadcast_in_dim3A_152, %gather3A_149 : vector<16xi1>, vector<16xf32>
          %max3A_154 = arith.maximumf %scan3A_137, %select_n3A_153 : vector<16xf32>
          %mul3A_155 = arith.constant 4 : i32
          %mul3A_156 = arith.muli %scan3A_136, %mul3A_155 : i32
          %add3A_157 = arith.constant 1 : i32
          %add3A_158 = arith.addi %mul3A_156, %add3A_157 : i32
          %mul3A_159 = arith.constant 256 : i32
          %mul3A_160 = arith.muli %add3A_158, %mul3A_159 : i32
          %add3A_161 = vector.broadcast %mul3A_160 : i32 to vector<16xi32>
          %add3A_162 = arith.addi %add3A_114, %add3A_161 : vector<16xi32>
          %gather3A_163 = tpu.vector_load_idx %arg10[%broadcast_in_dim3A_82, %add3A_162] : memref<4x4096xf32, #tpu.memory_space<vmem>>[vector<16xi32>, vector<16xi32>], vector<16xf32>,
          %eq3A_164 = arith.cmpi eq, %add3A_162, %gather3A : vector<16xi32>
          %jit3A_165 = arith.constant 0xFF800000 : f32
          %broadcast_in_dim3A_166 = vector.broadcast %jit3A_165 : f32 to vector<16xf32>
          %select_n3A_167 = arith.select %eq3A_164, %broadcast_in_dim3A_166, %gather3A_163 : vector<16xi1>, vector<16xf32>
          %max3A_168 = arith.maximumf %scan3A_138, %select_n3A_167 : vector<16xf32>
          %mul3A_169 = arith.constant 4 : i32
          %mul3A_170 = arith.muli %scan3A_136, %mul3A_169 : i32
          %add3A_171 = arith.constant 2 : i32
          %add3A_172 = arith.addi %mul3A_170, %add3A_171 : i32
          %mul3A_173 = arith.constant 256 : i32
          %mul3A_174 = arith.muli %add3A_172, %mul3A_173 : i32
          %add3A_175 = vector.broadcast %mul3A_174 : i32 to vector<16xi32>
          %add3A_176 = arith.addi %add3A_114, %add3A_175 : vector<16xi32>
          %gather3A_177 = tpu.vector_load_idx %arg10[%broadcast_in_dim3A_82, %add3A_176] : memref<4x4096xf32, #tpu.memory_space<vmem>>[vector<16xi32>, vector<16xi32>], vector<16xf32>,
          %eq3A_178 = arith.cmpi eq, %add3A_176, %gather3A : vector<16xi32>
          %jit3A_179 = arith.constant 0xFF800000 : f32
          %broadcast_in_dim3A_180 = vector.broadcast %jit3A_179 : f32 to vector<16xf32>
          %select_n3A_181 = arith.select %eq3A_178, %broadcast_in_dim3A_180, %gather3A_177 : vector<16xi1>, vector<16xf32>
          %max3A_182 = arith.maximumf %scan3A_139, %select_n3A_181 : vector<16xf32>
          %mul3A_183 = arith.constant 4 : i32
          %mul3A_184 = arith.muli %scan3A_136, %mul3A_183 : i32
          %add3A_185 = arith.constant 3 : i32
          %add3A_186 = arith.addi %mul3A_184, %add3A_185 : i32
          %mul3A_187 = arith.constant 256 : i32
          %mul3A_188 = arith.muli %add3A_186, %mul3A_187 : i32
          %add3A_189 = vector.broadcast %mul3A_188 : i32 to vector<16xi32>
          %add3A_190 = arith.addi %add3A_114, %add3A_189 : vector<16xi32>
          %gather3A_191 = tpu.vector_load_idx %arg10[%broadcast_in_dim3A_82, %add3A_190] : memref<4x4096xf32, #tpu.memory_space<vmem>>[vector<16xi32>, vector<16xi32>], vector<16xf32>,
          %eq3A_192 = arith.cmpi eq, %add3A_190, %gather3A : vector<16xi32>
          %jit3A_193 = arith.constant 0xFF800000 : f32
          %broadcast_in_dim3A_194 = vector.broadcast %jit3A_193 : f32 to vector<16xf32>
          %select_n3A_195 = arith.select %eq3A_192, %broadcast_in_dim3A_194, %gather3A_191 : vector<16xi1>, vector<16xf32>
          %max3A_196 = arith.maximumf %scan3A_140, %select_n3A_195 : vector<16xf32>
          scf.yield %max3A_154, %max3A_168, %max3A_182, %max3A_196 : vector<16xf32>, vector<16xf32>, vector<16xf32>, vector<16xf32>
        }
        %scan3A_120 = arith.constant 4 : i32
        %max3A_121 = arith.maximumf %scan3A_119#0, %scan3A_119#1 : vector<16xf32>
        %max3A_122 = arith.maximumf %scan3A_119#2, %scan3A_119#3 : vector<16xf32>
        %max3A_123 = arith.maximumf %max3A_121, %max3A_122 : vector<16xf32>
        %eq3A_124 = arith.cmpi eq, %iota3A, %and3A_110 : vector<16xi32>
        %jit3A = arith.constant 0xFF800000 : f32
        %broadcast_in_dim3A_125 = vector.broadcast %jit3A : f32 to vector<16xf32>
        %select_n3A_126 = arith.select %eq3A_124, %broadcast_in_dim3A_125, %max3A_93 : vector<16xi1>, vector<16xf32>
        %reduce_max3A_127 = arith.constant true
        %reduce_max3A_128 = vector.broadcast %reduce_max3A_127 : i1 to vector<16xi1>
        %reduce_max3A_129 = tpu.scan <max>, %select_n3A_126 masked %reduce_max3A_128 : vector<16xf32>, vector<16xi1> -> vector<16xf32>
        %reduce_max3A_130 = vector.extract %reduce_max3A_129[15] : f32 from vector<16xf32>
        %reduce_max3A_131 = arith.constant true
        %reduce_max3A_132 = vector.broadcast %reduce_max3A_131 : i1 to vector<16xi1>
        %reduce_max3A_133 = tpu.scan <max>, %max3A_123 masked %reduce_max3A_132 : vector<16xf32>, vector<16xi1> -> vector<16xf32>
        %reduce_max3A_134 = vector.extract %reduce_max3A_133[15] : f32 from vector<16xf32>
        %max3A_135 = arith.maximumf %reduce_max3A_130, %reduce_max3A_134 : f32
        %sub3A = arith.subf %reduce_max3A_96, %max3A_135 : f32
        scf.yield %sub3A : f32
      } else {
        %cond3A_109 = arith.constant 0.000000e+00 : f32
        scf.yield %cond3A_109 : f32
      }
      %get3A = arith.index_cast %scan3A_80 : i32 to index
      %get3A_100 = arith.constant 0 : index
      %get3A_101 = tpu.vector_load %arg12[%get3A, %get3A_100] {strides = array<i32>} : memref<4x16xf32, #tpu.memory_space<vmem>>, vector<16xf32>,
      %eq3A = arith.constant 1 : i32
      %eq3A_102 = vector.broadcast %eq3A : i32 to vector<16xi32>
      %eq3A_103 = arith.cmpi eq, %iota3A, %eq3A_102 : vector<16xi32>
      %broadcast_in_dim3A_104 = vector.broadcast %cond3A_99 : f32 to vector<16xf32>
      %select_n3A = arith.select %eq3A_103, %broadcast_in_dim3A_104, %get3A_101 : vector<16xi1>, vector<16xf32>
      %swap3A_105 = arith.index_cast %scan3A_80 : i32 to index
      %swap3A_106 = arith.constant 0 : index
      %swap3A_107 = tpu.vector_load %arg12[%swap3A_105, %swap3A_106] {strides = array<i32>} : memref<4x16xf32, #tpu.memory_space<vmem>>, vector<16xf32>,
      tpu.vector_store %arg12[%swap3A_105, %swap3A_106], %select_n3A {strides = array<i32>} : memref<4x16xf32, #tpu.memory_space<vmem>>, vector<16xf32>,
      %max3A_108 = arith.maximumf %scan3A_81, %reduce_max3A_96 : f32
      scf.yield %max3A_108 : f32
    }
    %scan3A_50 = arith.constant 4 : i32
    %dma_start3A_51 = arith.constant 0 : i32
    %dma_start3A_52 = tpu.memref_slice %arg5[%mul3A_2, %dma_start3A_51] : memref<128x4096xf32, #tpu.memory_space<hbm>> -> memref<4x4096xf32, #tpu.memory_space<hbm>>
    %dma_start3A_53 = arith.constant 0 : i32
    %dma_start3A_54 = tpu.memref_slice %arg5[%mul3A_2, %dma_start3A_53] : memref<128x4096xf32, #tpu.memory_space<hbm>> -> memref<4x4096xf32, #tpu.memory_space<hbm>>
    tpu.enqueue_dma source(%dma_start3A_54 : memref<4x4096xf32, #tpu.memory_space<hbm>>) target(%arg10 : memref<4x4096xf32, #tpu.memory_space<vmem>>) target_semaphore(%arg15 : memref<!tpu.dma_semaphore, #tpu.memory_space<semaphore_mem>>)
    %dma_wait3A_55 = arith.constant 0 : i32
    %dma_wait3A_56 = tpu.memref_slice %arg4[%mul3A_2, %dma_wait3A_55] : memref<128x4096xf32, #tpu.memory_space<hbm>> -> memref<4x4096xf32, #tpu.memory_space<hbm>>
    %dma_wait3A_57 = arith.constant 0 : i32
    %dma_wait3A_58 = tpu.memref_slice %arg4[%mul3A_2, %dma_wait3A_57] : memref<128x4096xf32, #tpu.memory_space<hbm>> -> memref<4x4096xf32, #tpu.memory_space<hbm>>
    tpu.wait_dma2 semaphore(%arg14 : memref<!tpu.dma_semaphore, #tpu.memory_space<semaphore_mem>>) src(%dma_wait3A_58 : memref<4x4096xf32, #tpu.memory_space<hbm>>) dst(%arg9 : memref<4x4096xf32, #tpu.memory_space<vmem>>)
    %scan3A_59 = arith.constant 0 : i32
    %scan3A_60 = arith.constant 4 : i32
    %scan3A_61 = arith.addi %scan3A_59, %scan3A_60 : i32
    %scan3A_62 = arith.constant 1 : i32
    %scan3A_63 = scf.for %scan3A_80 = %scan3A_59 to %scan3A_61 step %scan3A_62 iter_args(%scan3A_81 = %scan3A_49) -> (f32)  : i32 {
      %broadcast_in_dim3A_82 = vector.broadcast %scan3A_80 : i32 to vector<16xi32>
      %add3A_83 = arith.addi %mul3A_2, %scan3A_80 : i32
      %broadcast_in_dim3A_84 = vector.broadcast %add3A_83 : i32 to vector<16xi32>
      %gather3A = tpu.vector_load_idx %arg11[%broadcast_in_dim3A_84] : memref<128xi32, #tpu.memory_space<vmem>>[vector<16xi32>], vector<16xi32>,
      %parallel_loop3A = arith.constant 0 : i32
      %parallel_loop3A_85 = arith.constant 256 : i32
      %parallel_loop3A_86 = arith.constant 16 : i32
      %parallel_loop3A_87:8 = scf.for %parallel_loop3A_109 = %parallel_loop3A to %parallel_loop3A_85 step %parallel_loop3A_86 iter_args(%parallel_loop3A_110 = %broadcast_in_dim3A_6, %parallel_loop3A_111 = %broadcast_in_dim3A_6, %parallel_loop3A_112 = %broadcast_in_dim3A_6, %parallel_loop3A_113 = %broadcast_in_dim3A_6, %parallel_loop3A_114 = %broadcast_in_dim3A_6, %parallel_loop3A_115 = %broadcast_in_dim3A_6, %parallel_loop3A_116 = %broadcast_in_dim3A_6, %parallel_loop3A_117 = %broadcast_in_dim3A_6) -> (vector<16xf32>, vector<16xf32>, vector<16xf32>, vector<16xf32>, vector<16xf32>, vector<16xf32>, vector<16xf32>, vector<16xf32>)  : i32 {
        %parallel_loop3A_118 = arith.constant 16 : i32
        %parallel_loop3A_119 = arith.muli %parallel_loop3A_109, %parallel_loop3A_118 : i32
        %parallel_loop3A_120 = arith.constant 0 : i32
        %parallel_loop3A_121 = arith.addi %parallel_loop3A_119, %parallel_loop3A_120 : i32
        %parallel_loop3A_122 = arith.index_cast %scan3A_80 : i32 to index
        %parallel_loop3A_123 = arith.index_cast %parallel_loop3A_121 : i32 to index
        %parallel_loop3A_124 = tpu.vector_load %arg9[%parallel_loop3A_122, %parallel_loop3A_123] {strides = array<i32>} : memref<4x4096xf32, #tpu.memory_space<vmem>>, vector<16xf32>,
        %parallel_loop3A_125 = arith.maximumf %parallel_loop3A_110, %parallel_loop3A_124 : vector<16xf32>
        %parallel_loop3A_126 = arith.constant 16 : i32
        %parallel_loop3A_127 = arith.addi %parallel_loop3A_119, %parallel_loop3A_126 : i32
        %parallel_loop3A_128 = arith.index_cast %scan3A_80 : i32 to index
        %parallel_loop3A_129 = arith.index_cast %parallel_loop3A_127 : i32 to index
        %parallel_loop3A_130 = tpu.vector_load %arg9[%parallel_loop3A_128, %parallel_loop3A_129] {strides = array<i32>} : memref<4x4096xf32, #tpu.memory_space<vmem>>, vector<16xf32>,
        %parallel_loop3A_131 = arith.maximumf %parallel_loop3A_111, %parallel_loop3A_130 : vector<16xf32>
        %parallel_loop3A_132 = arith.constant 32 : i32
        %parallel_loop3A_133 = arith.addi %parallel_loop3A_119, %parallel_loop3A_132 : i32
        %parallel_loop3A_134 = arith.index_cast %scan3A_80 : i32 to index
        %parallel_loop3A_135 = arith.index_cast %parallel_loop3A_133 : i32 to index
        %parallel_loop3A_136 = tpu.vector_load %arg9[%parallel_loop3A_134, %parallel_loop3A_135] {strides = array<i32>} : memref<4x4096xf32, #tpu.memory_space<vmem>>, vector<16xf32>,
        %parallel_loop3A_137 = arith.maximumf %parallel_loop3A_112, %parallel_loop3A_136 : vector<16xf32>
        %parallel_loop3A_138 = arith.constant 48 : i32
        %parallel_loop3A_139 = arith.addi %parallel_loop3A_119, %parallel_loop3A_138 : i32
        %parallel_loop3A_140 = arith.index_cast %scan3A_80 : i32 to index
        %parallel_loop3A_141 = arith.index_cast %parallel_loop3A_139 : i32 to index
        %parallel_loop3A_142 = tpu.vector_load %arg9[%parallel_loop3A_140, %parallel_loop3A_141] {strides = array<i32>} : memref<4x4096xf32, #tpu.memory_space<vmem>>, vector<16xf32>,
        %parallel_loop3A_143 = arith.maximumf %parallel_loop3A_113, %parallel_loop3A_142 : vector<16xf32>
        %parallel_loop3A_144 = arith.constant 64 : i32
        %parallel_loop3A_145 = arith.addi %parallel_loop3A_119, %parallel_loop3A_144 : i32
        %parallel_loop3A_146 = arith.index_cast %scan3A_80 : i32 to index
        %parallel_loop3A_147 = arith.index_cast %parallel_loop3A_145 : i32 to index
        %parallel_loop3A_148 = tpu.vector_load %arg9[%parallel_loop3A_146, %parallel_loop3A_147] {strides = array<i32>} : memref<4x4096xf32, #tpu.memory_space<vmem>>, vector<16xf32>,
        %parallel_loop3A_149 = arith.maximumf %parallel_loop3A_114, %parallel_loop3A_148 : vector<16xf32>
        %parallel_loop3A_150 = arith.constant 80 : i32
        %parallel_loop3A_151 = arith.addi %parallel_loop3A_119, %parallel_loop3A_150 : i32
        %parallel_loop3A_152 = arith.index_cast %scan3A_80 : i32 to index
        %parallel_loop3A_153 = arith.index_cast %parallel_loop3A_151 : i32 to index
        %parallel_loop3A_154 = tpu.vector_load %arg9[%parallel_loop3A_152, %parallel_loop3A_153] {strides = array<i32>} : memref<4x4096xf32, #tpu.memory_space<vmem>>, vector<16xf32>,
        %parallel_loop3A_155 = arith.maximumf %parallel_loop3A_115, %parallel_loop3A_154 : vector<16xf32>
        %parallel_loop3A_156 = arith.constant 96 : i32
        %parallel_loop3A_157 = arith.addi %parallel_loop3A_119, %parallel_loop3A_156 : i32
        %parallel_loop3A_158 = arith.index_cast %scan3A_80 : i32 to index
        %parallel_loop3A_159 = arith.index_cast %parallel_loop3A_157 : i32 to index
        %parallel_loop3A_160 = tpu.vector_load %arg9[%parallel_loop3A_158, %parallel_loop3A_159] {strides = array<i32>} : memref<4x4096xf32, #tpu.memory_space<vmem>>, vector<16xf32>,
        %parallel_loop3A_161 = arith.maximumf %parallel_loop3A_116, %parallel_loop3A_160 : vector<16xf32>
        %parallel_loop3A_162 = arith.constant 112 : i32
        %parallel_loop3A_163 = arith.addi %parallel_loop3A_119, %parallel_loop3A_162 : i32
        %parallel_loop3A_164 = arith.index_cast %scan3A_80 : i32 to index
        %parallel_loop3A_165 = arith.index_cast %parallel_loop3A_163 : i32 to index
        %parallel_loop3A_166 = tpu.vector_load %arg9[%parallel_loop3A_164, %parallel_loop3A_165] {strides = array<i32>} : memref<4x4096xf32, #tpu.memory_space<vmem>>, vector<16xf32>,
        %parallel_loop3A_167 = arith.maximumf %parallel_loop3A_117, %parallel_loop3A_166 : vector<16xf32>
        %parallel_loop3A_168 = arith.constant 128 : i32
        %parallel_loop3A_169 = arith.addi %parallel_loop3A_119, %parallel_loop3A_168 : i32
        %parallel_loop3A_170 = arith.index_cast %scan3A_80 : i32 to index
        %parallel_loop3A_171 = arith.index_cast %parallel_loop3A_169 : i32 to index
        %parallel_loop3A_172 = tpu.vector_load %arg9[%parallel_loop3A_170, %parallel_loop3A_171] {strides = array<i32>} : memref<4x4096xf32, #tpu.memory_space<vmem>>, vector<16xf32>,
        %parallel_loop3A_173 = arith.maximumf %parallel_loop3A_125, %parallel_loop3A_172 : vector<16xf32>
        %parallel_loop3A_174 = arith.constant 144 : i32
        %parallel_loop3A_175 = arith.addi %parallel_loop3A_119, %parallel_loop3A_174 : i32
        %parallel_loop3A_176 = arith.index_cast %scan3A_80 : i32 to index
        %parallel_loop3A_177 = arith.index_cast %parallel_loop3A_175 : i32 to index
        %parallel_loop3A_178 = tpu.vector_load %arg9[%parallel_loop3A_176, %parallel_loop3A_177] {strides = array<i32>} : memref<4x4096xf32, #tpu.memory_space<vmem>>, vector<16xf32>,
        %parallel_loop3A_179 = arith.maximumf %parallel_loop3A_131, %parallel_loop3A_178 : vector<16xf32>
        %parallel_loop3A_180 = arith.constant 160 : i32
        %parallel_loop3A_181 = arith.addi %parallel_loop3A_119, %parallel_loop3A_180 : i32
        %parallel_loop3A_182 = arith.index_cast %scan3A_80 : i32 to index
        %parallel_loop3A_183 = arith.index_cast %parallel_loop3A_181 : i32 to index
        %parallel_loop3A_184 = tpu.vector_load %arg9[%parallel_loop3A_182, %parallel_loop3A_183] {strides = array<i32>} : memref<4x4096xf32, #tpu.memory_space<vmem>>, vector<16xf32>,
        %parallel_loop3A_185 = arith.maximumf %parallel_loop3A_137, %parallel_loop3A_184 : vector<16xf32>
        %parallel_loop3A_186 = arith.constant 176 : i32
        %parallel_loop3A_187 = arith.addi %parallel_loop3A_119, %parallel_loop3A_186 : i32
        %parallel_loop3A_188 = arith.index_cast %scan3A_80 : i32 to index
        %parallel_loop3A_189 = arith.index_cast %parallel_loop3A_187 : i32 to index
        %parallel_loop3A_190 = tpu.vector_load %arg9[%parallel_loop3A_188, %parallel_loop3A_189] {strides = array<i32>} : memref<4x4096xf32, #tpu.memory_space<vmem>>, vector<16xf32>,
        %parallel_loop3A_191 = arith.maximumf %parallel_loop3A_143, %parallel_loop3A_190 : vector<16xf32>
        %parallel_loop3A_192 = arith.constant 192 : i32
        %parallel_loop3A_193 = arith.addi %parallel_loop3A_119, %parallel_loop3A_192 : i32
        %parallel_loop3A_194 = arith.index_cast %scan3A_80 : i32 to index
        %parallel_loop3A_195 = arith.index_cast %parallel_loop3A_193 : i32 to index
        %parallel_loop3A_196 = tpu.vector_load %arg9[%parallel_loop3A_194, %parallel_loop3A_195] {strides = array<i32>} : memref<4x4096xf32, #tpu.memory_space<vmem>>, vector<16xf32>,
        %parallel_loop3A_197 = arith.maximumf %parallel_loop3A_149, %parallel_loop3A_196 : vector<16xf32>
        %parallel_loop3A_198 = arith.constant 208 : i32
        %parallel_loop3A_199 = arith.addi %parallel_loop3A_119, %parallel_loop3A_198 : i32
        %parallel_loop3A_200 = arith.index_cast %scan3A_80 : i32 to index
        %parallel_loop3A_201 = arith.index_cast %parallel_loop3A_199 : i32 to index
        %parallel_loop3A_202 = tpu.vector_load %arg9[%parallel_loop3A_200, %parallel_loop3A_201] {strides = array<i32>} : memref<4x4096xf32, #tpu.memory_space<vmem>>, vector<16xf32>,
        %parallel_loop3A_203 = arith.maximumf %parallel_loop3A_155, %parallel_loop3A_202 : vector<16xf32>
        %parallel_loop3A_204 = arith.constant 224 : i32
        %parallel_loop3A_205 = arith.addi %parallel_loop3A_119, %parallel_loop3A_204 : i32
        %parallel_loop3A_206 = arith.index_cast %scan3A_80 : i32 to index
        %parallel_loop3A_207 = arith.index_cast %parallel_loop3A_205 : i32 to index
        %parallel_loop3A_208 = tpu.vector_load %arg9[%parallel_loop3A_206, %parallel_loop3A_207] {strides = array<i32>} : memref<4x4096xf32, #tpu.memory_space<vmem>>, vector<16xf32>,
        %parallel_loop3A_209 = arith.maximumf %parallel_loop3A_161, %parallel_loop3A_208 : vector<16xf32>
        %parallel_loop3A_210 = arith.constant 240 : i32
        %parallel_loop3A_211 = arith.addi %parallel_loop3A_119, %parallel_loop3A_210 : i32
        %parallel_loop3A_212 = arith.index_cast %scan3A_80 : i32 to index
        %parallel_loop3A_213 = arith.index_cast %parallel_loop3A_211 : i32 to index
        %parallel_loop3A_214 = tpu.vector_load %arg9[%parallel_loop3A_212, %parallel_loop3A_213] {strides = array<i32>} : memref<4x4096xf32, #tpu.memory_space<vmem>>, vector<16xf32>,
        %parallel_loop3A_215 = arith.maximumf %parallel_loop3A_167, %parallel_loop3A_214 : vector<16xf32>
        scf.yield %parallel_loop3A_173, %parallel_loop3A_179, %parallel_loop3A_185, %parallel_loop3A_191, %parallel_loop3A_197, %parallel_loop3A_203, %parallel_loop3A_209, %parallel_loop3A_215 : vector<16xf32>, vector<16xf32>, vector<16xf32>, vector<16xf32>, vector<16xf32>, vector<16xf32>, vector<16xf32>, vector<16xf32>
      } {sc.loop_unroll_factor = 2 : i64, sc.parallel_access}
      %max3A = arith.maximumf %parallel_loop3A_87#0, %parallel_loop3A_87#1 : vector<16xf32>
      %max3A_88 = arith.maximumf %max3A, %parallel_loop3A_87#2 : vector<16xf32>
      %max3A_89 = arith.maximumf %max3A_88, %parallel_loop3A_87#3 : vector<16xf32>
      %max3A_90 = arith.maximumf %max3A_89, %parallel_loop3A_87#4 : vector<16xf32>
      %max3A_91 = arith.maximumf %max3A_90, %parallel_loop3A_87#5 : vector<16xf32>
      %max3A_92 = arith.maximumf %max3A_91, %parallel_loop3A_87#6 : vector<16xf32>
      %max3A_93 = arith.maximumf %max3A_92, %parallel_loop3A_87#7 : vector<16xf32>
      %reduce_max3A = arith.constant true
      %reduce_max3A_94 = vector.broadcast %reduce_max3A : i1 to vector<16xi1>
      %reduce_max3A_95 = tpu.scan <max>, %max3A_93 masked %reduce_max3A_94 : vector<16xf32>, vector<16xi1> -> vector<16xf32>
      %reduce_max3A_96 = vector.extract %reduce_max3A_95[15] : f32 from vector<16xf32>
      %gather3A_97 = tpu.vector_load_idx %arg9[%broadcast_in_dim3A_82, %gather3A] : memref<4x4096xf32, #tpu.memory_space<vmem>>[vector<16xi32>, vector<16xi32>], vector<16xf32>,
      %slice3A = vector.extract_strided_slice %gather3A_97 {offsets = [0], sizes = [1], strides = [1]} : vector<16xf32> to vector<1xf32>
      %squeeze3A = vector.extract %slice3A[0] : f32 from vector<1xf32>
      %ge3A = arith.cmpf oge, %squeeze3A, %reduce_max3A_96 : f32
      %convert_element_type3A = arith.extui %ge3A : i1 to i32
      %cond3A = arith.constant 0 : i32
      %cond3A_98 = arith.cmpi ne, %convert_element_type3A, %cond3A : i32
      %cond3A_99 = scf.if %cond3A_98 -> (f32) {
        %and3A = arith.constant 15 : i32
        %and3A_109 = vector.broadcast %and3A : i32 to vector<16xi32>
        %and3A_110 = arith.andi %gather3A, %and3A_109 : vector<16xi32>
        %mul3A_111 = arith.constant 16 : i32
        %mul3A_112 = vector.broadcast %mul3A_111 : i32 to vector<16xi32>
        %mul3A_113 = arith.muli %iota3A, %mul3A_112 : vector<16xi32>
        %add3A_114 = arith.addi %and3A_110, %mul3A_113 : vector<16xi32>
        %scan3A_115 = arith.constant 0 : i32
        %scan3A_116 = arith.constant 4 : i32
        %scan3A_117 = arith.addi %scan3A_115, %scan3A_116 : i32
        %scan3A_118 = arith.constant 1 : i32
        %scan3A_119:4 = scf.for %scan3A_136 = %scan3A_115 to %scan3A_117 step %scan3A_118 iter_args(%scan3A_137 = %broadcast_in_dim3A_6, %scan3A_138 = %broadcast_in_dim3A_6, %scan3A_139 = %broadcast_in_dim3A_6, %scan3A_140 = %broadcast_in_dim3A_6) -> (vector<16xf32>, vector<16xf32>, vector<16xf32>, vector<16xf32>)  : i32 {
          %mul3A_141 = arith.constant 4 : i32
          %mul3A_142 = arith.muli %scan3A_136, %mul3A_141 : i32
          %add3A_143 = arith.constant 0 : i32
          %add3A_144 = arith.addi %mul3A_142, %add3A_143 : i32
          %mul3A_145 = arith.constant 256 : i32
          %mul3A_146 = arith.muli %add3A_144, %mul3A_145 : i32
          %add3A_147 = vector.broadcast %mul3A_146 : i32 to vector<16xi32>
          %add3A_148 = arith.addi %add3A_114, %add3A_147 : vector<16xi32>
          %gather3A_149 = tpu.vector_load_idx %arg9[%broadcast_in_dim3A_82, %add3A_148] : memref<4x4096xf32, #tpu.memory_space<vmem>>[vector<16xi32>, vector<16xi32>], vector<16xf32>,
          %eq3A_150 = arith.cmpi eq, %add3A_148, %gather3A : vector<16xi32>
          %jit3A_151 = arith.constant 0xFF800000 : f32
          %broadcast_in_dim3A_152 = vector.broadcast %jit3A_151 : f32 to vector<16xf32>
          %select_n3A_153 = arith.select %eq3A_150, %broadcast_in_dim3A_152, %gather3A_149 : vector<16xi1>, vector<16xf32>
          %max3A_154 = arith.maximumf %scan3A_137, %select_n3A_153 : vector<16xf32>
          %mul3A_155 = arith.constant 4 : i32
          %mul3A_156 = arith.muli %scan3A_136, %mul3A_155 : i32
          %add3A_157 = arith.constant 1 : i32
          %add3A_158 = arith.addi %mul3A_156, %add3A_157 : i32
          %mul3A_159 = arith.constant 256 : i32
          %mul3A_160 = arith.muli %add3A_158, %mul3A_159 : i32
          %add3A_161 = vector.broadcast %mul3A_160 : i32 to vector<16xi32>
          %add3A_162 = arith.addi %add3A_114, %add3A_161 : vector<16xi32>
          %gather3A_163 = tpu.vector_load_idx %arg9[%broadcast_in_dim3A_82, %add3A_162] : memref<4x4096xf32, #tpu.memory_space<vmem>>[vector<16xi32>, vector<16xi32>], vector<16xf32>,
          %eq3A_164 = arith.cmpi eq, %add3A_162, %gather3A : vector<16xi32>
          %jit3A_165 = arith.constant 0xFF800000 : f32
          %broadcast_in_dim3A_166 = vector.broadcast %jit3A_165 : f32 to vector<16xf32>
          %select_n3A_167 = arith.select %eq3A_164, %broadcast_in_dim3A_166, %gather3A_163 : vector<16xi1>, vector<16xf32>
          %max3A_168 = arith.maximumf %scan3A_138, %select_n3A_167 : vector<16xf32>
          %mul3A_169 = arith.constant 4 : i32
          %mul3A_170 = arith.muli %scan3A_136, %mul3A_169 : i32
          %add3A_171 = arith.constant 2 : i32
          %add3A_172 = arith.addi %mul3A_170, %add3A_171 : i32
          %mul3A_173 = arith.constant 256 : i32
          %mul3A_174 = arith.muli %add3A_172, %mul3A_173 : i32
          %add3A_175 = vector.broadcast %mul3A_174 : i32 to vector<16xi32>
          %add3A_176 = arith.addi %add3A_114, %add3A_175 : vector<16xi32>
          %gather3A_177 = tpu.vector_load_idx %arg9[%broadcast_in_dim3A_82, %add3A_176] : memref<4x4096xf32, #tpu.memory_space<vmem>>[vector<16xi32>, vector<16xi32>], vector<16xf32>,
          %eq3A_178 = arith.cmpi eq, %add3A_176, %gather3A : vector<16xi32>
          %jit3A_179 = arith.constant 0xFF800000 : f32
          %broadcast_in_dim3A_180 = vector.broadcast %jit3A_179 : f32 to vector<16xf32>
          %select_n3A_181 = arith.select %eq3A_178, %broadcast_in_dim3A_180, %gather3A_177 : vector<16xi1>, vector<16xf32>
          %max3A_182 = arith.maximumf %scan3A_139, %select_n3A_181 : vector<16xf32>
          %mul3A_183 = arith.constant 4 : i32
          %mul3A_184 = arith.muli %scan3A_136, %mul3A_183 : i32
          %add3A_185 = arith.constant 3 : i32
          %add3A_186 = arith.addi %mul3A_184, %add3A_185 : i32
          %mul3A_187 = arith.constant 256 : i32
          %mul3A_188 = arith.muli %add3A_186, %mul3A_187 : i32
          %add3A_189 = vector.broadcast %mul3A_188 : i32 to vector<16xi32>
          %add3A_190 = arith.addi %add3A_114, %add3A_189 : vector<16xi32>
          %gather3A_191 = tpu.vector_load_idx %arg9[%broadcast_in_dim3A_82, %add3A_190] : memref<4x4096xf32, #tpu.memory_space<vmem>>[vector<16xi32>, vector<16xi32>], vector<16xf32>,
          %eq3A_192 = arith.cmpi eq, %add3A_190, %gather3A : vector<16xi32>
          %jit3A_193 = arith.constant 0xFF800000 : f32
          %broadcast_in_dim3A_194 = vector.broadcast %jit3A_193 : f32 to vector<16xf32>
          %select_n3A_195 = arith.select %eq3A_192, %broadcast_in_dim3A_194, %gather3A_191 : vector<16xi1>, vector<16xf32>
          %max3A_196 = arith.maximumf %scan3A_140, %select_n3A_195 : vector<16xf32>
          scf.yield %max3A_154, %max3A_168, %max3A_182, %max3A_196 : vector<16xf32>, vector<16xf32>, vector<16xf32>, vector<16xf32>
        }
        %scan3A_120 = arith.constant 4 : i32
        %max3A_121 = arith.maximumf %scan3A_119#0, %scan3A_119#1 : vector<16xf32>
        %max3A_122 = arith.maximumf %scan3A_119#2, %scan3A_119#3 : vector<16xf32>
        %max3A_123 = arith.maximumf %max3A_121, %max3A_122 : vector<16xf32>
        %eq3A_124 = arith.cmpi eq, %iota3A, %and3A_110 : vector<16xi32>
        %jit3A = arith.constant 0xFF800000 : f32
        %broadcast_in_dim3A_125 = vector.broadcast %jit3A : f32 to vector<16xf32>
        %select_n3A_126 = arith.select %eq3A_124, %broadcast_in_dim3A_125, %max3A_93 : vector<16xi1>, vector<16xf32>
        %reduce_max3A_127 = arith.constant true
        %reduce_max3A_128 = vector.broadcast %reduce_max3A_127 : i1 to vector<16xi1>
        %reduce_max3A_129 = tpu.scan <max>, %select_n3A_126 masked %reduce_max3A_128 : vector<16xf32>, vector<16xi1> -> vector<16xf32>
        %reduce_max3A_130 = vector.extract %reduce_max3A_129[15] : f32 from vector<16xf32>
        %reduce_max3A_131 = arith.constant true
        %reduce_max3A_132 = vector.broadcast %reduce_max3A_131 : i1 to vector<16xi1>
        %reduce_max3A_133 = tpu.scan <max>, %max3A_123 masked %reduce_max3A_132 : vector<16xf32>, vector<16xi1> -> vector<16xf32>
        %reduce_max3A_134 = vector.extract %reduce_max3A_133[15] : f32 from vector<16xf32>
        %max3A_135 = arith.maximumf %reduce_max3A_130, %reduce_max3A_134 : f32
        %sub3A = arith.subf %reduce_max3A_96, %max3A_135 : f32
        scf.yield %sub3A : f32
      } else {
        %cond3A_109 = arith.constant 0.000000e+00 : f32
        scf.yield %cond3A_109 : f32
      }
      %get3A = arith.index_cast %scan3A_80 : i32 to index
      %get3A_100 = arith.constant 0 : index
      %get3A_101 = tpu.vector_load %arg12[%get3A, %get3A_100] {strides = array<i32>} : memref<4x16xf32, #tpu.memory_space<vmem>>, vector<16xf32>,
      %eq3A = arith.constant 2 : i32
      %eq3A_102 = vector.broadcast %eq3A : i32 to vector<16xi32>
      %eq3A_103 = arith.cmpi eq, %iota3A, %eq3A_102 : vector<16xi32>
      %broadcast_in_dim3A_104 = vector.broadcast %cond3A_99 : f32 to vector<16xf32>
      %select_n3A = arith.select %eq3A_103, %broadcast_in_dim3A_104, %get3A_101 : vector<16xi1>, vector<16xf32>
      %swap3A_105 = arith.index_cast %scan3A_80 : i32 to index
      %swap3A_106 = arith.constant 0 : index
      %swap3A_107 = tpu.vector_load %arg12[%swap3A_105, %swap3A_106] {strides = array<i32>} : memref<4x16xf32, #tpu.memory_space<vmem>>, vector<16xf32>,
      tpu.vector_store %arg12[%swap3A_105, %swap3A_106], %select_n3A {strides = array<i32>} : memref<4x16xf32, #tpu.memory_space<vmem>>, vector<16xf32>,
      %max3A_108 = arith.maximumf %scan3A_81, %reduce_max3A_96 : f32
      scf.yield %max3A_108 : f32
    }
    %scan3A_64 = arith.constant 4 : i32
    %dma_wait3A_65 = arith.constant 0 : i32
    %dma_wait3A_66 = tpu.memref_slice %arg5[%mul3A_2, %dma_wait3A_65] : memref<128x4096xf32, #tpu.memory_space<hbm>> -> memref<4x4096xf32, #tpu.memory_space<hbm>>
    %dma_wait3A_67 = arith.constant 0 : i32
    %dma_wait3A_68 = tpu.memref_slice %arg5[%mul3A_2, %dma_wait3A_67] : memref<128x4096xf32, #tpu.memory_space<hbm>> -> memref<4x4096xf32, #tpu.memory_space<hbm>>
    tpu.wait_dma2 semaphore(%arg15 : memref<!tpu.dma_semaphore, #tpu.memory_space<semaphore_mem>>) src(%dma_wait3A_68 : memref<4x4096xf32, #tpu.memory_space<hbm>>) dst(%arg10 : memref<4x4096xf32, #tpu.memory_space<vmem>>)
    %scan3A_69 = arith.constant 0 : i32
    %scan3A_70 = arith.constant 4 : i32
    %scan3A_71 = arith.addi %scan3A_69, %scan3A_70 : i32
    %scan3A_72 = arith.constant 1 : i32
    %scan3A_73 = scf.for %scan3A_80 = %scan3A_69 to %scan3A_71 step %scan3A_72 iter_args(%scan3A_81 = %scan3A_63) -> (f32)  : i32 {
      %broadcast_in_dim3A_82 = vector.broadcast %scan3A_80 : i32 to vector<16xi32>
      %add3A_83 = arith.addi %mul3A_2, %scan3A_80 : i32
      %broadcast_in_dim3A_84 = vector.broadcast %add3A_83 : i32 to vector<16xi32>
      %gather3A = tpu.vector_load_idx %arg11[%broadcast_in_dim3A_84] : memref<128xi32, #tpu.memory_space<vmem>>[vector<16xi32>], vector<16xi32>,
      %parallel_loop3A = arith.constant 0 : i32
      %parallel_loop3A_85 = arith.constant 256 : i32
      %parallel_loop3A_86 = arith.constant 16 : i32
      %parallel_loop3A_87:8 = scf.for %parallel_loop3A_109 = %parallel_loop3A to %parallel_loop3A_85 step %parallel_loop3A_86 iter_args(%parallel_loop3A_110 = %broadcast_in_dim3A_6, %parallel_loop3A_111 = %broadcast_in_dim3A_6, %parallel_loop3A_112 = %broadcast_in_dim3A_6, %parallel_loop3A_113 = %broadcast_in_dim3A_6, %parallel_loop3A_114 = %broadcast_in_dim3A_6, %parallel_loop3A_115 = %broadcast_in_dim3A_6, %parallel_loop3A_116 = %broadcast_in_dim3A_6, %parallel_loop3A_117 = %broadcast_in_dim3A_6) -> (vector<16xf32>, vector<16xf32>, vector<16xf32>, vector<16xf32>, vector<16xf32>, vector<16xf32>, vector<16xf32>, vector<16xf32>)  : i32 {
        %parallel_loop3A_118 = arith.constant 16 : i32
        %parallel_loop3A_119 = arith.muli %parallel_loop3A_109, %parallel_loop3A_118 : i32
        %parallel_loop3A_120 = arith.constant 0 : i32
        %parallel_loop3A_121 = arith.addi %parallel_loop3A_119, %parallel_loop3A_120 : i32
        %parallel_loop3A_122 = arith.index_cast %scan3A_80 : i32 to index
        %parallel_loop3A_123 = arith.index_cast %parallel_loop3A_121 : i32 to index
        %parallel_loop3A_124 = tpu.vector_load %arg10[%parallel_loop3A_122, %parallel_loop3A_123] {strides = array<i32>} : memref<4x4096xf32, #tpu.memory_space<vmem>>, vector<16xf32>,
        %parallel_loop3A_125 = arith.maximumf %parallel_loop3A_110, %parallel_loop3A_124 : vector<16xf32>
        %parallel_loop3A_126 = arith.constant 16 : i32
        %parallel_loop3A_127 = arith.addi %parallel_loop3A_119, %parallel_loop3A_126 : i32
        %parallel_loop3A_128 = arith.index_cast %scan3A_80 : i32 to index
        %parallel_loop3A_129 = arith.index_cast %parallel_loop3A_127 : i32 to index
        %parallel_loop3A_130 = tpu.vector_load %arg10[%parallel_loop3A_128, %parallel_loop3A_129] {strides = array<i32>} : memref<4x4096xf32, #tpu.memory_space<vmem>>, vector<16xf32>,
        %parallel_loop3A_131 = arith.maximumf %parallel_loop3A_111, %parallel_loop3A_130 : vector<16xf32>
        %parallel_loop3A_132 = arith.constant 32 : i32
        %parallel_loop3A_133 = arith.addi %parallel_loop3A_119, %parallel_loop3A_132 : i32
        %parallel_loop3A_134 = arith.index_cast %scan3A_80 : i32 to index
        %parallel_loop3A_135 = arith.index_cast %parallel_loop3A_133 : i32 to index
        %parallel_loop3A_136 = tpu.vector_load %arg10[%parallel_loop3A_134, %parallel_loop3A_135] {strides = array<i32>} : memref<4x4096xf32, #tpu.memory_space<vmem>>, vector<16xf32>,
        %parallel_loop3A_137 = arith.maximumf %parallel_loop3A_112, %parallel_loop3A_136 : vector<16xf32>
        %parallel_loop3A_138 = arith.constant 48 : i32
        %parallel_loop3A_139 = arith.addi %parallel_loop3A_119, %parallel_loop3A_138 : i32
        %parallel_loop3A_140 = arith.index_cast %scan3A_80 : i32 to index
        %parallel_loop3A_141 = arith.index_cast %parallel_loop3A_139 : i32 to index
        %parallel_loop3A_142 = tpu.vector_load %arg10[%parallel_loop3A_140, %parallel_loop3A_141] {strides = array<i32>} : memref<4x4096xf32, #tpu.memory_space<vmem>>, vector<16xf32>,
        %parallel_loop3A_143 = arith.maximumf %parallel_loop3A_113, %parallel_loop3A_142 : vector<16xf32>
        %parallel_loop3A_144 = arith.constant 64 : i32
        %parallel_loop3A_145 = arith.addi %parallel_loop3A_119, %parallel_loop3A_144 : i32
        %parallel_loop3A_146 = arith.index_cast %scan3A_80 : i32 to index
        %parallel_loop3A_147 = arith.index_cast %parallel_loop3A_145 : i32 to index
        %parallel_loop3A_148 = tpu.vector_load %arg10[%parallel_loop3A_146, %parallel_loop3A_147] {strides = array<i32>} : memref<4x4096xf32, #tpu.memory_space<vmem>>, vector<16xf32>,
        %parallel_loop3A_149 = arith.maximumf %parallel_loop3A_114, %parallel_loop3A_148 : vector<16xf32>
        %parallel_loop3A_150 = arith.constant 80 : i32
        %parallel_loop3A_151 = arith.addi %parallel_loop3A_119, %parallel_loop3A_150 : i32
        %parallel_loop3A_152 = arith.index_cast %scan3A_80 : i32 to index
        %parallel_loop3A_153 = arith.index_cast %parallel_loop3A_151 : i32 to index
        %parallel_loop3A_154 = tpu.vector_load %arg10[%parallel_loop3A_152, %parallel_loop3A_153] {strides = array<i32>} : memref<4x4096xf32, #tpu.memory_space<vmem>>, vector<16xf32>,
        %parallel_loop3A_155 = arith.maximumf %parallel_loop3A_115, %parallel_loop3A_154 : vector<16xf32>
        %parallel_loop3A_156 = arith.constant 96 : i32
        %parallel_loop3A_157 = arith.addi %parallel_loop3A_119, %parallel_loop3A_156 : i32
        %parallel_loop3A_158 = arith.index_cast %scan3A_80 : i32 to index
        %parallel_loop3A_159 = arith.index_cast %parallel_loop3A_157 : i32 to index
        %parallel_loop3A_160 = tpu.vector_load %arg10[%parallel_loop3A_158, %parallel_loop3A_159] {strides = array<i32>} : memref<4x4096xf32, #tpu.memory_space<vmem>>, vector<16xf32>,
        %parallel_loop3A_161 = arith.maximumf %parallel_loop3A_116, %parallel_loop3A_160 : vector<16xf32>
        %parallel_loop3A_162 = arith.constant 112 : i32
        %parallel_loop3A_163 = arith.addi %parallel_loop3A_119, %parallel_loop3A_162 : i32
        %parallel_loop3A_164 = arith.index_cast %scan3A_80 : i32 to index
        %parallel_loop3A_165 = arith.index_cast %parallel_loop3A_163 : i32 to index
        %parallel_loop3A_166 = tpu.vector_load %arg10[%parallel_loop3A_164, %parallel_loop3A_165] {strides = array<i32>} : memref<4x4096xf32, #tpu.memory_space<vmem>>, vector<16xf32>,
        %parallel_loop3A_167 = arith.maximumf %parallel_loop3A_117, %parallel_loop3A_166 : vector<16xf32>
        %parallel_loop3A_168 = arith.constant 128 : i32
        %parallel_loop3A_169 = arith.addi %parallel_loop3A_119, %parallel_loop3A_168 : i32
        %parallel_loop3A_170 = arith.index_cast %scan3A_80 : i32 to index
        %parallel_loop3A_171 = arith.index_cast %parallel_loop3A_169 : i32 to index
        %parallel_loop3A_172 = tpu.vector_load %arg10[%parallel_loop3A_170, %parallel_loop3A_171] {strides = array<i32>} : memref<4x4096xf32, #tpu.memory_space<vmem>>, vector<16xf32>,
        %parallel_loop3A_173 = arith.maximumf %parallel_loop3A_125, %parallel_loop3A_172 : vector<16xf32>
        %parallel_loop3A_174 = arith.constant 144 : i32
        %parallel_loop3A_175 = arith.addi %parallel_loop3A_119, %parallel_loop3A_174 : i32
        %parallel_loop3A_176 = arith.index_cast %scan3A_80 : i32 to index
        %parallel_loop3A_177 = arith.index_cast %parallel_loop3A_175 : i32 to index
        %parallel_loop3A_178 = tpu.vector_load %arg10[%parallel_loop3A_176, %parallel_loop3A_177] {strides = array<i32>} : memref<4x4096xf32, #tpu.memory_space<vmem>>, vector<16xf32>,
        %parallel_loop3A_179 = arith.maximumf %parallel_loop3A_131, %parallel_loop3A_178 : vector<16xf32>
        %parallel_loop3A_180 = arith.constant 160 : i32
        %parallel_loop3A_181 = arith.addi %parallel_loop3A_119, %parallel_loop3A_180 : i32
        %parallel_loop3A_182 = arith.index_cast %scan3A_80 : i32 to index
        %parallel_loop3A_183 = arith.index_cast %parallel_loop3A_181 : i32 to index
        %parallel_loop3A_184 = tpu.vector_load %arg10[%parallel_loop3A_182, %parallel_loop3A_183] {strides = array<i32>} : memref<4x4096xf32, #tpu.memory_space<vmem>>, vector<16xf32>,
        %parallel_loop3A_185 = arith.maximumf %parallel_loop3A_137, %parallel_loop3A_184 : vector<16xf32>
        %parallel_loop3A_186 = arith.constant 176 : i32
        %parallel_loop3A_187 = arith.addi %parallel_loop3A_119, %parallel_loop3A_186 : i32
        %parallel_loop3A_188 = arith.index_cast %scan3A_80 : i32 to index
        %parallel_loop3A_189 = arith.index_cast %parallel_loop3A_187 : i32 to index
        %parallel_loop3A_190 = tpu.vector_load %arg10[%parallel_loop3A_188, %parallel_loop3A_189] {strides = array<i32>} : memref<4x4096xf32, #tpu.memory_space<vmem>>, vector<16xf32>,
        %parallel_loop3A_191 = arith.maximumf %parallel_loop3A_143, %parallel_loop3A_190 : vector<16xf32>
        %parallel_loop3A_192 = arith.constant 192 : i32
        %parallel_loop3A_193 = arith.addi %parallel_loop3A_119, %parallel_loop3A_192 : i32
        %parallel_loop3A_194 = arith.index_cast %scan3A_80 : i32 to index
        %parallel_loop3A_195 = arith.index_cast %parallel_loop3A_193 : i32 to index
        %parallel_loop3A_196 = tpu.vector_load %arg10[%parallel_loop3A_194, %parallel_loop3A_195] {strides = array<i32>} : memref<4x4096xf32, #tpu.memory_space<vmem>>, vector<16xf32>,
        %parallel_loop3A_197 = arith.maximumf %parallel_loop3A_149, %parallel_loop3A_196 : vector<16xf32>
        %parallel_loop3A_198 = arith.constant 208 : i32
        %parallel_loop3A_199 = arith.addi %parallel_loop3A_119, %parallel_loop3A_198 : i32
        %parallel_loop3A_200 = arith.index_cast %scan3A_80 : i32 to index
        %parallel_loop3A_201 = arith.index_cast %parallel_loop3A_199 : i32 to index
        %parallel_loop3A_202 = tpu.vector_load %arg10[%parallel_loop3A_200, %parallel_loop3A_201] {strides = array<i32>} : memref<4x4096xf32, #tpu.memory_space<vmem>>, vector<16xf32>,
        %parallel_loop3A_203 = arith.maximumf %parallel_loop3A_155, %parallel_loop3A_202 : vector<16xf32>
        %parallel_loop3A_204 = arith.constant 224 : i32
        %parallel_loop3A_205 = arith.addi %parallel_loop3A_119, %parallel_loop3A_204 : i32
        %parallel_loop3A_206 = arith.index_cast %scan3A_80 : i32 to index
        %parallel_loop3A_207 = arith.index_cast %parallel_loop3A_205 : i32 to index
        %parallel_loop3A_208 = tpu.vector_load %arg10[%parallel_loop3A_206, %parallel_loop3A_207] {strides = array<i32>} : memref<4x4096xf32, #tpu.memory_space<vmem>>, vector<16xf32>,
        %parallel_loop3A_209 = arith.maximumf %parallel_loop3A_161, %parallel_loop3A_208 : vector<16xf32>
        %parallel_loop3A_210 = arith.constant 240 : i32
        %parallel_loop3A_211 = arith.addi %parallel_loop3A_119, %parallel_loop3A_210 : i32
        %parallel_loop3A_212 = arith.index_cast %scan3A_80 : i32 to index
        %parallel_loop3A_213 = arith.index_cast %parallel_loop3A_211 : i32 to index
        %parallel_loop3A_214 = tpu.vector_load %arg10[%parallel_loop3A_212, %parallel_loop3A_213] {strides = array<i32>} : memref<4x4096xf32, #tpu.memory_space<vmem>>, vector<16xf32>,
        %parallel_loop3A_215 = arith.maximumf %parallel_loop3A_167, %parallel_loop3A_214 : vector<16xf32>
        scf.yield %parallel_loop3A_173, %parallel_loop3A_179, %parallel_loop3A_185, %parallel_loop3A_191, %parallel_loop3A_197, %parallel_loop3A_203, %parallel_loop3A_209, %parallel_loop3A_215 : vector<16xf32>, vector<16xf32>, vector<16xf32>, vector<16xf32>, vector<16xf32>, vector<16xf32>, vector<16xf32>, vector<16xf32>
      } {sc.loop_unroll_factor = 2 : i64, sc.parallel_access}
      %max3A = arith.maximumf %parallel_loop3A_87#0, %parallel_loop3A_87#1 : vector<16xf32>
      %max3A_88 = arith.maximumf %max3A, %parallel_loop3A_87#2 : vector<16xf32>
      %max3A_89 = arith.maximumf %max3A_88, %parallel_loop3A_87#3 : vector<16xf32>
      %max3A_90 = arith.maximumf %max3A_89, %parallel_loop3A_87#4 : vector<16xf32>
      %max3A_91 = arith.maximumf %max3A_90, %parallel_loop3A_87#5 : vector<16xf32>
      %max3A_92 = arith.maximumf %max3A_91, %parallel_loop3A_87#6 : vector<16xf32>
      %max3A_93 = arith.maximumf %max3A_92, %parallel_loop3A_87#7 : vector<16xf32>
      %reduce_max3A = arith.constant true
      %reduce_max3A_94 = vector.broadcast %reduce_max3A : i1 to vector<16xi1>
      %reduce_max3A_95 = tpu.scan <max>, %max3A_93 masked %reduce_max3A_94 : vector<16xf32>, vector<16xi1> -> vector<16xf32>
      %reduce_max3A_96 = vector.extract %reduce_max3A_95[15] : f32 from vector<16xf32>
      %gather3A_97 = tpu.vector_load_idx %arg10[%broadcast_in_dim3A_82, %gather3A] : memref<4x4096xf32, #tpu.memory_space<vmem>>[vector<16xi32>, vector<16xi32>], vector<16xf32>,
      %slice3A = vector.extract_strided_slice %gather3A_97 {offsets = [0], sizes = [1], strides = [1]} : vector<16xf32> to vector<1xf32>
      %squeeze3A = vector.extract %slice3A[0] : f32 from vector<1xf32>
      %ge3A = arith.cmpf oge, %squeeze3A, %reduce_max3A_96 : f32
      %convert_element_type3A = arith.extui %ge3A : i1 to i32
      %cond3A = arith.constant 0 : i32
      %cond3A_98 = arith.cmpi ne, %convert_element_type3A, %cond3A : i32
      %cond3A_99 = scf.if %cond3A_98 -> (f32) {
        %and3A = arith.constant 15 : i32
        %and3A_109 = vector.broadcast %and3A : i32 to vector<16xi32>
        %and3A_110 = arith.andi %gather3A, %and3A_109 : vector<16xi32>
        %mul3A_111 = arith.constant 16 : i32
        %mul3A_112 = vector.broadcast %mul3A_111 : i32 to vector<16xi32>
        %mul3A_113 = arith.muli %iota3A, %mul3A_112 : vector<16xi32>
        %add3A_114 = arith.addi %and3A_110, %mul3A_113 : vector<16xi32>
        %scan3A_115 = arith.constant 0 : i32
        %scan3A_116 = arith.constant 4 : i32
        %scan3A_117 = arith.addi %scan3A_115, %scan3A_116 : i32
        %scan3A_118 = arith.constant 1 : i32
        %scan3A_119:4 = scf.for %scan3A_136 = %scan3A_115 to %scan3A_117 step %scan3A_118 iter_args(%scan3A_137 = %broadcast_in_dim3A_6, %scan3A_138 = %broadcast_in_dim3A_6, %scan3A_139 = %broadcast_in_dim3A_6, %scan3A_140 = %broadcast_in_dim3A_6) -> (vector<16xf32>, vector<16xf32>, vector<16xf32>, vector<16xf32>)  : i32 {
          %mul3A_141 = arith.constant 4 : i32
          %mul3A_142 = arith.muli %scan3A_136, %mul3A_141 : i32
          %add3A_143 = arith.constant 0 : i32
          %add3A_144 = arith.addi %mul3A_142, %add3A_143 : i32
          %mul3A_145 = arith.constant 256 : i32
          %mul3A_146 = arith.muli %add3A_144, %mul3A_145 : i32
          %add3A_147 = vector.broadcast %mul3A_146 : i32 to vector<16xi32>
          %add3A_148 = arith.addi %add3A_114, %add3A_147 : vector<16xi32>
          %gather3A_149 = tpu.vector_load_idx %arg10[%broadcast_in_dim3A_82, %add3A_148] : memref<4x4096xf32, #tpu.memory_space<vmem>>[vector<16xi32>, vector<16xi32>], vector<16xf32>,
          %eq3A_150 = arith.cmpi eq, %add3A_148, %gather3A : vector<16xi32>
          %jit3A_151 = arith.constant 0xFF800000 : f32
          %broadcast_in_dim3A_152 = vector.broadcast %jit3A_151 : f32 to vector<16xf32>
          %select_n3A_153 = arith.select %eq3A_150, %broadcast_in_dim3A_152, %gather3A_149 : vector<16xi1>, vector<16xf32>
          %max3A_154 = arith.maximumf %scan3A_137, %select_n3A_153 : vector<16xf32>
          %mul3A_155 = arith.constant 4 : i32
          %mul3A_156 = arith.muli %scan3A_136, %mul3A_155 : i32
          %add3A_157 = arith.constant 1 : i32
          %add3A_158 = arith.addi %mul3A_156, %add3A_157 : i32
          %mul3A_159 = arith.constant 256 : i32
          %mul3A_160 = arith.muli %add3A_158, %mul3A_159 : i32
          %add3A_161 = vector.broadcast %mul3A_160 : i32 to vector<16xi32>
          %add3A_162 = arith.addi %add3A_114, %add3A_161 : vector<16xi32>
          %gather3A_163 = tpu.vector_load_idx %arg10[%broadcast_in_dim3A_82, %add3A_162] : memref<4x4096xf32, #tpu.memory_space<vmem>>[vector<16xi32>, vector<16xi32>], vector<16xf32>,
          %eq3A_164 = arith.cmpi eq, %add3A_162, %gather3A : vector<16xi32>
          %jit3A_165 = arith.constant 0xFF800000 : f32
          %broadcast_in_dim3A_166 = vector.broadcast %jit3A_165 : f32 to vector<16xf32>
          %select_n3A_167 = arith.select %eq3A_164, %broadcast_in_dim3A_166, %gather3A_163 : vector<16xi1>, vector<16xf32>
          %max3A_168 = arith.maximumf %scan3A_138, %select_n3A_167 : vector<16xf32>
          %mul3A_169 = arith.constant 4 : i32
          %mul3A_170 = arith.muli %scan3A_136, %mul3A_169 : i32
          %add3A_171 = arith.constant 2 : i32
          %add3A_172 = arith.addi %mul3A_170, %add3A_171 : i32
          %mul3A_173 = arith.constant 256 : i32
          %mul3A_174 = arith.muli %add3A_172, %mul3A_173 : i32
          %add3A_175 = vector.broadcast %mul3A_174 : i32 to vector<16xi32>
          %add3A_176 = arith.addi %add3A_114, %add3A_175 : vector<16xi32>
          %gather3A_177 = tpu.vector_load_idx %arg10[%broadcast_in_dim3A_82, %add3A_176] : memref<4x4096xf32, #tpu.memory_space<vmem>>[vector<16xi32>, vector<16xi32>], vector<16xf32>,
          %eq3A_178 = arith.cmpi eq, %add3A_176, %gather3A : vector<16xi32>
          %jit3A_179 = arith.constant 0xFF800000 : f32
          %broadcast_in_dim3A_180 = vector.broadcast %jit3A_179 : f32 to vector<16xf32>
          %select_n3A_181 = arith.select %eq3A_178, %broadcast_in_dim3A_180, %gather3A_177 : vector<16xi1>, vector<16xf32>
          %max3A_182 = arith.maximumf %scan3A_139, %select_n3A_181 : vector<16xf32>
          %mul3A_183 = arith.constant 4 : i32
          %mul3A_184 = arith.muli %scan3A_136, %mul3A_183 : i32
          %add3A_185 = arith.constant 3 : i32
          %add3A_186 = arith.addi %mul3A_184, %add3A_185 : i32
          %mul3A_187 = arith.constant 256 : i32
          %mul3A_188 = arith.muli %add3A_186, %mul3A_187 : i32
          %add3A_189 = vector.broadcast %mul3A_188 : i32 to vector<16xi32>
          %add3A_190 = arith.addi %add3A_114, %add3A_189 : vector<16xi32>
          %gather3A_191 = tpu.vector_load_idx %arg10[%broadcast_in_dim3A_82, %add3A_190] : memref<4x4096xf32, #tpu.memory_space<vmem>>[vector<16xi32>, vector<16xi32>], vector<16xf32>,
          %eq3A_192 = arith.cmpi eq, %add3A_190, %gather3A : vector<16xi32>
          %jit3A_193 = arith.constant 0xFF800000 : f32
          %broadcast_in_dim3A_194 = vector.broadcast %jit3A_193 : f32 to vector<16xf32>
          %select_n3A_195 = arith.select %eq3A_192, %broadcast_in_dim3A_194, %gather3A_191 : vector<16xi1>, vector<16xf32>
          %max3A_196 = arith.maximumf %scan3A_140, %select_n3A_195 : vector<16xf32>
          scf.yield %max3A_154, %max3A_168, %max3A_182, %max3A_196 : vector<16xf32>, vector<16xf32>, vector<16xf32>, vector<16xf32>
        }
        %scan3A_120 = arith.constant 4 : i32
        %max3A_121 = arith.maximumf %scan3A_119#0, %scan3A_119#1 : vector<16xf32>
        %max3A_122 = arith.maximumf %scan3A_119#2, %scan3A_119#3 : vector<16xf32>
        %max3A_123 = arith.maximumf %max3A_121, %max3A_122 : vector<16xf32>
        %eq3A_124 = arith.cmpi eq, %iota3A, %and3A_110 : vector<16xi32>
        %jit3A = arith.constant 0xFF800000 : f32
        %broadcast_in_dim3A_125 = vector.broadcast %jit3A : f32 to vector<16xf32>
        %select_n3A_126 = arith.select %eq3A_124, %broadcast_in_dim3A_125, %max3A_93 : vector<16xi1>, vector<16xf32>
        %reduce_max3A_127 = arith.constant true
        %reduce_max3A_128 = vector.broadcast %reduce_max3A_127 : i1 to vector<16xi1>
        %reduce_max3A_129 = tpu.scan <max>, %select_n3A_126 masked %reduce_max3A_128 : vector<16xf32>, vector<16xi1> -> vector<16xf32>
        %reduce_max3A_130 = vector.extract %reduce_max3A_129[15] : f32 from vector<16xf32>
        %reduce_max3A_131 = arith.constant true
        %reduce_max3A_132 = vector.broadcast %reduce_max3A_131 : i1 to vector<16xi1>
        %reduce_max3A_133 = tpu.scan <max>, %max3A_123 masked %reduce_max3A_132 : vector<16xf32>, vector<16xi1> -> vector<16xf32>
        %reduce_max3A_134 = vector.extract %reduce_max3A_133[15] : f32 from vector<16xf32>
        %max3A_135 = arith.maximumf %reduce_max3A_130, %reduce_max3A_134 : f32
        %sub3A = arith.subf %reduce_max3A_96, %max3A_135 : f32
        scf.yield %sub3A : f32
      } else {
        %cond3A_109 = arith.constant 0.000000e+00 : f32
        scf.yield %cond3A_109 : f32
      }
      %get3A = arith.index_cast %scan3A_80 : i32 to index
      %get3A_100 = arith.constant 0 : index
      %get3A_101 = tpu.vector_load %arg12[%get3A, %get3A_100] {strides = array<i32>} : memref<4x16xf32, #tpu.memory_space<vmem>>, vector<16xf32>,
      %eq3A = arith.constant 3 : i32
      %eq3A_102 = vector.broadcast %eq3A : i32 to vector<16xi32>
      %eq3A_103 = arith.cmpi eq, %iota3A, %eq3A_102 : vector<16xi32>
      %broadcast_in_dim3A_104 = vector.broadcast %cond3A_99 : f32 to vector<16xf32>
      %select_n3A = arith.select %eq3A_103, %broadcast_in_dim3A_104, %get3A_101 : vector<16xi1>, vector<16xf32>
      %swap3A_105 = arith.index_cast %scan3A_80 : i32 to index
      %swap3A_106 = arith.constant 0 : index
      %swap3A_107 = tpu.vector_load %arg12[%swap3A_105, %swap3A_106] {strides = array<i32>} : memref<4x16xf32, #tpu.memory_space<vmem>>, vector<16xf32>,
      tpu.vector_store %arg12[%swap3A_105, %swap3A_106], %select_n3A {strides = array<i32>} : memref<4x16xf32, #tpu.memory_space<vmem>>, vector<16xf32>,
      %max3A_108 = arith.maximumf %scan3A_81, %reduce_max3A_96 : f32
      scf.yield %max3A_108 : f32
    }
    %scan3A_74 = arith.constant 4 : i32
    %broadcast_in_dim3A_75 = vector.broadcast %scan3A_73 : f32 to vector<16xf32>
    %swap3A_76 = arith.constant 0 : i32
    %swap3A_77 = arith.index_cast %swap3A_76 : i32 to index
    %swap3A_78 = arith.constant 0 : index
    %swap3A_79 = tpu.vector_load %arg13[%swap3A_77, %swap3A_78] {strides = array<i32>} : memref<1x16xf32, #tpu.memory_space<vmem>>, vector<16xf32>,
    tpu.vector_store %arg13[%swap3A_77, %swap3A_78], %broadcast_in_dim3A_75 {strides = array<i32>} : memref<1x16xf32, #tpu.memory_space<vmem>>, vector<16xf32>,
    "tpu.region"() ({
      %run_scoped3A = tpu.sem_alloc : memref<!tpu.dma_semaphore, #tpu.memory_space<semaphore_mem>>
      %dma_start3A_80 = arith.constant 0 : i32
      %dma_start3A_81 = tpu.memref_slice %arg7[%mul3A_2, %dma_start3A_80] : memref<128x16xf32, #tpu.memory_space<hbm>> -> memref<4x16xf32, #tpu.memory_space<hbm>>
      %dma_start3A_82 = arith.constant 0 : i32
      %dma_start3A_83 = tpu.memref_slice %arg7[%mul3A_2, %dma_start3A_82] : memref<128x16xf32, #tpu.memory_space<hbm>> -> memref<4x16xf32, #tpu.memory_space<hbm>>
      tpu.enqueue_dma source(%arg12 : memref<4x16xf32, #tpu.memory_space<vmem>>) target(%dma_start3A_83 : memref<4x16xf32, #tpu.memory_space<hbm>>) target_semaphore(%run_scoped3A : memref<!tpu.dma_semaphore, #tpu.memory_space<semaphore_mem>>)
      %dma_wait3A_84 = arith.constant 0 : i32
      %dma_wait3A_85 = tpu.memref_slice %arg7[%mul3A_2, %dma_wait3A_84] : memref<128x16xf32, #tpu.memory_space<hbm>> -> memref<4x16xf32, #tpu.memory_space<hbm>>
      %dma_wait3A_86 = arith.constant 0 : i32
      %dma_wait3A_87 = tpu.memref_slice %arg7[%mul3A_2, %dma_wait3A_86] : memref<128x16xf32, #tpu.memory_space<hbm>> -> memref<4x16xf32, #tpu.memory_space<hbm>>
      tpu.wait_dma2 semaphore(%run_scoped3A : memref<!tpu.dma_semaphore, #tpu.memory_space<semaphore_mem>>) src(%arg12 : memref<4x16xf32, #tpu.memory_space<vmem>>) dst(%dma_wait3A_87 : memref<4x16xf32, #tpu.memory_space<hbm>>)
      tpu.yield
    }) : () -> ()
    "tpu.region"() ({
      %run_scoped3A = tpu.sem_alloc : memref<!tpu.dma_semaphore, #tpu.memory_space<semaphore_mem>>
      %dma_start3A_80 = arith.constant 0 : i32
      %dma_start3A_81 = tpu.memref_slice %arg8[%add3A, %dma_start3A_80] : memref<32x16xf32, #tpu.memory_space<hbm>> -> memref<1x16xf32, #tpu.memory_space<hbm>>
      %dma_start3A_82 = arith.constant 0 : i32
      %dma_start3A_83 = tpu.memref_slice %arg8[%add3A, %dma_start3A_82] : memref<32x16xf32, #tpu.memory_space<hbm>> -> memref<1x16xf32, #tpu.memory_space<hbm>>
      tpu.enqueue_dma source(%arg13 : memref<1x16xf32, #tpu.memory_space<vmem>>) target(%dma_start3A_83 : memref<1x16xf32, #tpu.memory_space<hbm>>) target_semaphore(%run_scoped3A : memref<!tpu.dma_semaphore, #tpu.memory_space<semaphore_mem>>)
      %dma_wait3A_84 = arith.constant 0 : i32
      %dma_wait3A_85 = tpu.memref_slice %arg8[%add3A, %dma_wait3A_84] : memref<32x16xf32, #tpu.memory_space<hbm>> -> memref<1x16xf32, #tpu.memory_space<hbm>>
      %dma_wait3A_86 = arith.constant 0 : i32
      %dma_wait3A_87 = tpu.memref_slice %arg8[%add3A, %dma_wait3A_86] : memref<32x16xf32, #tpu.memory_space<hbm>> -> memref<1x16xf32, #tpu.memory_space<hbm>>
      tpu.wait_dma2 semaphore(%run_scoped3A : memref<!tpu.dma_semaphore, #tpu.memory_space<semaphore_mem>>) src(%arg13 : memref<1x16xf32, #tpu.memory_space<vmem>>) dst(%dma_wait3A_87 : memref<1x16xf32, #tpu.memory_space<hbm>>)
      tpu.yield
    }) : () -> ()
    return
  }
}

module attributes {stable_mosaic.version = 14 : i64} {
  func.func @_tc_marg_body(%arg0: i32, %arg1: memref<128x512xf32, #tpu.memory_space<vmem>>, %arg2: memref<128x512xf32, #tpu.memory_space<vmem>>, %arg3: memref<128x512xf32, #tpu.memory_space<vmem>>, %arg4: memref<128x512xf32, #tpu.memory_space<vmem>>, %arg5: memref<128x512xf32, #tpu.memory_space<vmem>>, %arg6: memref<128x1xi32, #tpu.memory_space<vmem>>, %arg7: memref<128x16xf32, #tpu.memory_space<vmem>>, %arg8: memref<1x1xf32, #tpu.memory_space<vmem>>, %arg9: memref<128x16xf32, #tpu.memory_space<vmem>>) attributes {dimension_semantics = [#tpu.dimension_semantics<arbitrary>], iteration_bounds = array<i64: 8>, scalar_prefetch = 0 : i64, scratch_operands = 1 : i64, tpu.core_type = #tpu.core_type<tc>, window_params = [{transform_indices = @transform_0, window_bounds = array<i64: 128, 512>}, {transform_indices = @transform_1, window_bounds = array<i64: 128, 512>}, {transform_indices = @transform_2, window_bounds = array<i64: 128, 512>}, {transform_indices = @transform_3, window_bounds = array<i64: 128, 512>}, {transform_indices = @transform_4, window_bounds = array<i64: 128, 512>}, {pipeline_mode = #tpu.pipeline_mode<synchronous>, transform_indices = @transform_5, window_bounds = array<i64: 128, 1>}, {pipeline_mode = #tpu.pipeline_mode<synchronous>, transform_indices = @transform_6, window_bounds = array<i64: 128, 16>}, {pipeline_mode = #tpu.pipeline_mode<synchronous>, transform_indices = @transform_7, window_bounds = array<i64: 1, 1>}]} {
    %get3A = arith.constant 0 : index
    %get3A_0 = arith.constant 0 : index
    %get3A_1 = vector.load %arg6[%get3A, %get3A_0] : memref<128x1xi32, #tpu.memory_space<vmem>>, vector<128x1xi32>
    %iota3A = tpu.iota {dimensions = array<i32: 1>} : vector<128x512xi32>
    %mul3A = arith.constant 512 : i32
    %mul3A_2 = arith.muli %arg0, %mul3A : i32
    %add3A = vector.broadcast %mul3A_2 : i32 to vector<128x512xi32>
    %add3A_3 = arith.addi %iota3A, %add3A : vector<128x512xi32>
    %eq3A = vector.broadcast %get3A_1 : vector<128x1xi32> to vector<128x512xi32>
    %eq3A_4 = arith.cmpi eq, %add3A_3, %eq3A : vector<128x512xi32>
    %get3A_5 = arith.constant 0 : index
    %get3A_6 = arith.constant 0 : index
    %get3A_7 = vector.load %arg1[%get3A_5, %get3A_6] : memref<128x512xf32, #tpu.memory_space<vmem>>, vector<128x512xf32>
    %reduce_max3A = arith.constant dense<0xFF800000> : vector<128xf32>
    %reduce_max3A_8 = vector.multi_reduction <maximumf>, %get3A_7, %reduce_max3A [1] : vector<128x512xf32> to vector<128xf32>
    %broadcast_in_dim3A = vector.shape_cast %reduce_max3A_8 : vector<128xf32> to vector<128x1xf32>
    %jit3A = arith.constant 0xFF800000 : f32
    %broadcast_in_dim3A_9 = vector.broadcast %jit3A : f32 to vector<128x512xf32>
    %select_n3A = arith.select %eq3A_4, %broadcast_in_dim3A_9, %get3A_7 : vector<128x512xi1>, vector<128x512xf32>
    %reduce_max3A_10 = arith.constant dense<0xFF800000> : vector<128xf32>
    %reduce_max3A_11 = vector.multi_reduction <maximumf>, %select_n3A, %reduce_max3A_10 [1] : vector<128x512xf32> to vector<128xf32>
    %broadcast_in_dim3A_12 = vector.shape_cast %reduce_max3A_11 : vector<128xf32> to vector<128x1xf32>
    %get3A_13 = arith.constant 0 : index
    %get3A_14 = arith.constant 0 : index
    %get3A_15 = vector.load %arg2[%get3A_13, %get3A_14] : memref<128x512xf32, #tpu.memory_space<vmem>>, vector<128x512xf32>
    %reduce_max3A_16 = arith.constant dense<0xFF800000> : vector<128xf32>
    %reduce_max3A_17 = vector.multi_reduction <maximumf>, %get3A_15, %reduce_max3A_16 [1] : vector<128x512xf32> to vector<128xf32>
    %broadcast_in_dim3A_18 = vector.shape_cast %reduce_max3A_17 : vector<128xf32> to vector<128x1xf32>
    %jit3A_19 = arith.constant 0xFF800000 : f32
    %broadcast_in_dim3A_20 = vector.broadcast %jit3A_19 : f32 to vector<128x512xf32>
    %select_n3A_21 = arith.select %eq3A_4, %broadcast_in_dim3A_20, %get3A_15 : vector<128x512xi1>, vector<128x512xf32>
    %reduce_max3A_22 = arith.constant dense<0xFF800000> : vector<128xf32>
    %reduce_max3A_23 = vector.multi_reduction <maximumf>, %select_n3A_21, %reduce_max3A_22 [1] : vector<128x512xf32> to vector<128xf32>
    %broadcast_in_dim3A_24 = vector.shape_cast %reduce_max3A_23 : vector<128xf32> to vector<128x1xf32>
    %get3A_25 = arith.constant 0 : index
    %get3A_26 = arith.constant 0 : index
    %get3A_27 = vector.load %arg3[%get3A_25, %get3A_26] : memref<128x512xf32, #tpu.memory_space<vmem>>, vector<128x512xf32>
    %reduce_max3A_28 = arith.constant dense<0xFF800000> : vector<128xf32>
    %reduce_max3A_29 = vector.multi_reduction <maximumf>, %get3A_27, %reduce_max3A_28 [1] : vector<128x512xf32> to vector<128xf32>
    %broadcast_in_dim3A_30 = vector.shape_cast %reduce_max3A_29 : vector<128xf32> to vector<128x1xf32>
    %jit3A_31 = arith.constant 0xFF800000 : f32
    %broadcast_in_dim3A_32 = vector.broadcast %jit3A_31 : f32 to vector<128x512xf32>
    %select_n3A_33 = arith.select %eq3A_4, %broadcast_in_dim3A_32, %get3A_27 : vector<128x512xi1>, vector<128x512xf32>
    %reduce_max3A_34 = arith.constant dense<0xFF800000> : vector<128xf32>
    %reduce_max3A_35 = vector.multi_reduction <maximumf>, %select_n3A_33, %reduce_max3A_34 [1] : vector<128x512xf32> to vector<128xf32>
    %broadcast_in_dim3A_36 = vector.shape_cast %reduce_max3A_35 : vector<128xf32> to vector<128x1xf32>
    %get3A_37 = arith.constant 0 : index
    %get3A_38 = arith.constant 0 : index
    %get3A_39 = vector.load %arg4[%get3A_37, %get3A_38] : memref<128x512xf32, #tpu.memory_space<vmem>>, vector<128x512xf32>
    %reduce_max3A_40 = arith.constant dense<0xFF800000> : vector<128xf32>
    %reduce_max3A_41 = vector.multi_reduction <maximumf>, %get3A_39, %reduce_max3A_40 [1] : vector<128x512xf32> to vector<128xf32>
    %broadcast_in_dim3A_42 = vector.shape_cast %reduce_max3A_41 : vector<128xf32> to vector<128x1xf32>
    %jit3A_43 = arith.constant 0xFF800000 : f32
    %broadcast_in_dim3A_44 = vector.broadcast %jit3A_43 : f32 to vector<128x512xf32>
    %select_n3A_45 = arith.select %eq3A_4, %broadcast_in_dim3A_44, %get3A_39 : vector<128x512xi1>, vector<128x512xf32>
    %reduce_max3A_46 = arith.constant dense<0xFF800000> : vector<128xf32>
    %reduce_max3A_47 = vector.multi_reduction <maximumf>, %select_n3A_45, %reduce_max3A_46 [1] : vector<128x512xf32> to vector<128xf32>
    %broadcast_in_dim3A_48 = vector.shape_cast %reduce_max3A_47 : vector<128xf32> to vector<128x1xf32>
    %get3A_49 = arith.constant 0 : index
    %get3A_50 = arith.constant 0 : index
    %get3A_51 = vector.load %arg5[%get3A_49, %get3A_50] : memref<128x512xf32, #tpu.memory_space<vmem>>, vector<128x512xf32>
    %reduce_max3A_52 = arith.constant dense<0xFF800000> : vector<128xf32>
    %reduce_max3A_53 = vector.multi_reduction <maximumf>, %get3A_51, %reduce_max3A_52 [1] : vector<128x512xf32> to vector<128xf32>
    %broadcast_in_dim3A_54 = vector.shape_cast %reduce_max3A_53 : vector<128xf32> to vector<128x1xf32>
    %jit3A_55 = arith.constant 0xFF800000 : f32
    %broadcast_in_dim3A_56 = vector.broadcast %jit3A_55 : f32 to vector<128x512xf32>
    %select_n3A_57 = arith.select %eq3A_4, %broadcast_in_dim3A_56, %get3A_51 : vector<128x512xi1>, vector<128x512xf32>
    %reduce_max3A_58 = arith.constant dense<0xFF800000> : vector<128xf32>
    %reduce_max3A_59 = vector.multi_reduction <maximumf>, %select_n3A_57, %reduce_max3A_58 [1] : vector<128x512xf32> to vector<128xf32>
    %broadcast_in_dim3A_60 = vector.shape_cast %reduce_max3A_59 : vector<128xf32> to vector<128x1xf32>
    %broadcast_in_dim3A_61 = arith.constant 0xFF800000 : f32
    %broadcast_in_dim3A_62 = vector.broadcast %broadcast_in_dim3A_61 : f32 to vector<128x6xf32>
    %concatenate3A = tpu.concatenate %broadcast_in_dim3A, %broadcast_in_dim3A_18, %broadcast_in_dim3A_30, %broadcast_in_dim3A_42, %broadcast_in_dim3A_54, %broadcast_in_dim3A_12, %broadcast_in_dim3A_24, %broadcast_in_dim3A_36, %broadcast_in_dim3A_48, %broadcast_in_dim3A_60, %broadcast_in_dim3A_62 in 1 : vector<128x1xf32>, vector<128x1xf32>, vector<128x1xf32>, vector<128x1xf32>, vector<128x1xf32>, vector<128x1xf32>, vector<128x1xf32>, vector<128x1xf32>, vector<128x1xf32>, vector<128x1xf32>, vector<128x6xf32> -> vector<128x16xf32>
    %eq3A_63 = arith.constant 0 : i32
    %eq3A_64 = arith.cmpi eq, %arg0, %eq3A_63 : i32
    %broadcast_in_dim3A_65 = arith.constant 0xFF800000 : f32
    %broadcast_in_dim3A_66 = vector.broadcast %broadcast_in_dim3A_65 : f32 to vector<128x16xf32>
    %get3A_67 = arith.constant 0 : index
    %get3A_68 = arith.constant 0 : index
    %get3A_69 = vector.load %arg9[%get3A_67, %get3A_68] : memref<128x16xf32, #tpu.memory_space<vmem>>, vector<128x16xf32>
    %select_n3A_70 = arith.select %eq3A_64, %broadcast_in_dim3A_66, %get3A_69 : vector<128x16xf32>
    %max3A = arith.maximumf %select_n3A_70, %concatenate3A : vector<128x16xf32>
    %swap3A = arith.constant 0 : index
    %swap3A_71 = arith.constant 0 : index
    %swap3A_72 = vector.load %arg9[%swap3A, %swap3A_71] : memref<128x16xf32, #tpu.memory_space<vmem>>, vector<128x16xf32>
    tpu.vector_store %arg9[%swap3A, %swap3A_71], %max3A {strides = array<i32>} : memref<128x16xf32, #tpu.memory_space<vmem>>, vector<128x16xf32>,
    %eq3A_73 = arith.constant 7 : i32
    %eq3A_74 = arith.cmpi eq, %arg0, %eq3A_73 : i32
    %convert_element_type3A = arith.extui %eq3A_74 : i1 to i32
    %cond3A = arith.constant 0 : i32
    %cond3A_75 = arith.cmpi ne, %convert_element_type3A, %cond3A : i32
    scf.if %cond3A_75 {
      %slice3A = vector.extract_strided_slice %max3A {offsets = [0, 0], sizes = [128, 5], strides = [1, 1]} : vector<128x16xf32> to vector<128x5xf32>
      %slice3A_76 = vector.extract_strided_slice %max3A {offsets = [0, 5], sizes = [128, 5], strides = [1, 1]} : vector<128x16xf32> to vector<128x5xf32>
      %broadcast_in_dim3A_77 = arith.constant 0.000000e+00 : f32
      %broadcast_in_dim3A_78 = vector.broadcast %broadcast_in_dim3A_77 : f32 to vector<128x4xf32>
      %sub3A = arith.subf %slice3A, %slice3A_76 : vector<128x5xf32>
      %broadcast_in_dim3A_79 = arith.constant 0.000000e+00 : f32
      %broadcast_in_dim3A_80 = vector.broadcast %broadcast_in_dim3A_79 : f32 to vector<128x7xf32>
      %concatenate3A_81 = tpu.concatenate %broadcast_in_dim3A_78, %sub3A, %broadcast_in_dim3A_80 in 1 : vector<128x4xf32>, vector<128x5xf32>, vector<128x7xf32> -> vector<128x16xf32>
      %swap3A_82 = arith.constant 0 : index
      %swap3A_83 = arith.constant 0 : index
      %swap3A_84 = vector.load %arg7[%swap3A_82, %swap3A_83] : memref<128x16xf32, #tpu.memory_space<vmem>>, vector<128x16xf32>
      tpu.vector_store %arg7[%swap3A_82, %swap3A_83], %concatenate3A_81 {strides = array<i32>} : memref<128x16xf32, #tpu.memory_space<vmem>>, vector<128x16xf32>,
      %slice3A_85 = vector.extract_strided_slice %max3A {offsets = [0, 0], sizes = [128, 4], strides = [1, 1]} : vector<128x16xf32> to vector<128x4xf32>
      %reduce_max3A_86 = vector.shape_cast %slice3A_85 : vector<128x4xf32> to vector<1x128x4xf32>
      %reduce_max3A_87 = arith.constant dense<0xFF800000> : vector<1xf32>
      %reduce_max3A_88 = vector.multi_reduction <maximumf>, %reduce_max3A_86, %reduce_max3A_87 [1, 2] : vector<1x128x4xf32> to vector<1xf32>
      %reduce_max3A_89 = vector.shape_cast %reduce_max3A_88 : vector<1xf32> to vector<1x1x1xf32>
      %reduce_max3A_90 = vector.extract %reduce_max3A_89[0, 0, 0] : f32 from vector<1x1x1xf32>
      %broadcast_in_dim3A_91 = vector.broadcast %reduce_max3A_90 : f32 to vector<1x1xf32>
      %swap3A_92 = arith.constant 0 : index
      %swap3A_93 = arith.constant 0 : index
      %swap3A_94 = vector.load %arg8[%swap3A_92, %swap3A_93] : memref<1x1xf32, #tpu.memory_space<vmem>>, vector<1x1xf32>
      tpu.vector_store %arg8[%swap3A_92, %swap3A_93], %broadcast_in_dim3A_91 {strides = array<i32>} : memref<1x1xf32, #tpu.memory_space<vmem>>, vector<1x1xf32>,
    } else {
    }
    return
  }
  func.func @transform_0(%arg0: i32) -> (i32, i32) {
    %c0_i32 = arith.constant 0 : i32
    %c0_i32_0 = arith.constant 0 : i32
    return %c0_i32, %arg0 : i32, i32
  }
  func.func @transform_1(%arg0: i32) -> (i32, i32) {
    %c0_i32 = arith.constant 0 : i32
    %c0_i32_0 = arith.constant 0 : i32
    return %c0_i32, %arg0 : i32, i32
  }
  func.func @transform_2(%arg0: i32) -> (i32, i32) {
    %c0_i32 = arith.constant 0 : i32
    %c0_i32_0 = arith.constant 0 : i32
    return %c0_i32, %arg0 : i32, i32
  }
  func.func @transform_3(%arg0: i32) -> (i32, i32) {
    %c0_i32 = arith.constant 0 : i32
    %c0_i32_0 = arith.constant 0 : i32
    return %c0_i32, %arg0 : i32, i32
  }
  func.func @transform_4(%arg0: i32) -> (i32, i32) {
    %c0_i32 = arith.constant 0 : i32
    %c0_i32_0 = arith.constant 0 : i32
    return %c0_i32, %arg0 : i32, i32
  }
  func.func @transform_5(%arg0: i32) -> (i32, i32) {
    %c0_i32 = arith.constant 0 : i32
    %c0_i32_0 = arith.constant 0 : i32
    %c0_i32_1 = arith.constant 0 : i32
    return %c0_i32, %c0_i32_0 : i32, i32
  }
  func.func @transform_6(%arg0: i32) -> (i32, i32) {
    %c0_i32 = arith.constant 0 : i32
    %c0_i32_0 = arith.constant 0 : i32
    %c0_i32_1 = arith.constant 0 : i32
    return %c0_i32, %c0_i32_0 : i32, i32
  }
  func.func @transform_7(%arg0: i32) -> (i32, i32) {
    %c0_i32 = arith.constant 0 : i32
    %c0_i32_0 = arith.constant 0 : i32
    %c0_i32_1 = arith.constant 0 : i32
    return %c0_i32, %c0_i32_0 : i32, i32
  }
}

module attributes {stable_mosaic.version = 14 : i64} {
  func.func @_fin_body(%arg0: memref<128x16xf32, #tpu.memory_space<vmem>>, %arg1: memref<128x16xf32, #tpu.memory_space<vmem>>, %arg2: memref<32x16xf32, #tpu.memory_space<vmem>>, %arg3: memref<1x1xf32, #tpu.memory_space<vmem>>, %arg4: memref<128x9xf32, #tpu.memory_space<vmem>>, %arg5: memref<1xf32, #tpu.memory_space<smem>>) attributes {dimension_semantics = [], scalar_prefetch = 0 : i64, scratch_operands = 0 : i64, tpu.core_type = #tpu.core_type<tc>} {
    %get3A = arith.constant 0 : index
    %get3A_0 = arith.constant 0 : index
    %get3A_1 = vector.load %arg0[%get3A, %get3A_0] : memref<128x16xf32, #tpu.memory_space<vmem>>, vector<128x16xf32>
    %get3A_2 = arith.constant 0 : index
    %get3A_3 = arith.constant 0 : index
    %get3A_4 = vector.load %arg1[%get3A_2, %get3A_3] : memref<128x16xf32, #tpu.memory_space<vmem>>, vector<128x16xf32>
    %add3A = arith.addf %get3A_1, %get3A_4 : vector<128x16xf32>
    %iota3A = tpu.iota {dimensions = array<i32: 1>} : vector<128x16xi32>
    %lt3A = arith.constant 9 : i32
    %lt3A_5 = vector.broadcast %lt3A : i32 to vector<128x16xi32>
    %lt3A_6 = arith.cmpi slt, %iota3A, %lt3A_5 : vector<128x16xi32>
    %mul3A = arith.constant 5.000000e-01 : f32
    %mul3A_7 = vector.broadcast %mul3A : f32 to vector<128x16xf32>
    %mul3A_8 = arith.mulf %add3A, %mul3A_7 : vector<128x16xf32>
    %jit3A = arith.constant -1.000000e+30 : f32
    %broadcast_in_dim3A = vector.broadcast %jit3A : f32 to vector<128x16xf32>
    %select_n3A = arith.select %lt3A_6, %mul3A_8, %broadcast_in_dim3A : vector<128x16xi1>, vector<128x16xf32>
    %reduce_max3A = arith.constant dense<0xFF800000> : vector<128xf32>
    %reduce_max3A_9 = vector.multi_reduction <maximumf>, %select_n3A, %reduce_max3A [1] : vector<128x16xf32> to vector<128xf32>
    %broadcast_in_dim3A_10 = vector.shape_cast %reduce_max3A_9 : vector<128xf32> to vector<128x1xf32>
    %sub3A = vector.broadcast %broadcast_in_dim3A_10 : vector<128x1xf32> to vector<128x16xf32>
    %sub3A_11 = arith.subf %mul3A_8, %sub3A : vector<128x16xf32>
    %exp3A = math.exp %sub3A_11 : vector<128x16xf32>
    %jit3A_12 = arith.constant 0.000000e+00 : f32
    %broadcast_in_dim3A_13 = vector.broadcast %jit3A_12 : f32 to vector<128x16xf32>
    %select_n3A_14 = arith.select %lt3A_6, %exp3A, %broadcast_in_dim3A_13 : vector<128x16xi1>, vector<128x16xf32>
    %reduce_sum3A = arith.constant dense<0.000000e+00> : vector<128xf32>
    %reduce_sum3A_15 = vector.multi_reduction <add>, %select_n3A_14, %reduce_sum3A [1] : vector<128x16xf32> to vector<128xf32>
    %broadcast_in_dim3A_16 = vector.shape_cast %reduce_sum3A_15 : vector<128xf32> to vector<128x1xf32>
    %div3A = vector.broadcast %broadcast_in_dim3A_16 : vector<128x1xf32> to vector<128x16xf32>
    %div3A_17 = arith.divf %select_n3A_14, %div3A : vector<128x16xf32>
    %slice3A = vector.extract_strided_slice %div3A_17 {offsets = [0, 0], sizes = [128, 9], strides = [1, 1]} : vector<128x16xf32> to vector<128x9xf32>
    %swap3A = arith.constant 0 : index
    %swap3A_18 = arith.constant 0 : index
    %swap3A_19 = vector.load %arg4[%swap3A, %swap3A_18] : memref<128x9xf32, #tpu.memory_space<vmem>>, vector<128x9xf32>
    tpu.vector_store %arg4[%swap3A, %swap3A_18], %slice3A {strides = array<i32>} : memref<128x9xf32, #tpu.memory_space<vmem>>, vector<128x9xf32>,
    %get3A_20 = arith.constant 0 : index
    %get3A_21 = arith.constant 0 : index
    %get3A_22 = vector.load %arg2[%get3A_20, %get3A_21] : memref<32x16xf32, #tpu.memory_space<vmem>>, vector<32x16xf32>
    %reduce_max3A_23 = vector.shape_cast %get3A_22 : vector<32x16xf32> to vector<1x32x16xf32>
    %reduce_max3A_24 = arith.constant dense<0xFF800000> : vector<1xf32>
    %reduce_max3A_25 = vector.multi_reduction <maximumf>, %reduce_max3A_23, %reduce_max3A_24 [1, 2] : vector<1x32x16xf32> to vector<1xf32>
    %reduce_max3A_26 = vector.shape_cast %reduce_max3A_25 : vector<1xf32> to vector<1x1x1xf32>
    %reduce_max3A_27 = vector.extract %reduce_max3A_26[0, 0, 0] : f32 from vector<1x1x1xf32>
    %get3A_28 = arith.constant 0 : index
    %get3A_29 = arith.constant 0 : index
    %get3A_30 = vector.load %arg3[%get3A_28, %get3A_29] : memref<1x1xf32, #tpu.memory_space<vmem>>, vector<1x1xf32>
    %reduce_max3A_31 = vector.shape_cast %get3A_30 : vector<1x1xf32> to vector<1x1x1xf32>
    %reduce_max3A_32 = arith.constant dense<0xFF800000> : vector<1xf32>
    %reduce_max3A_33 = vector.multi_reduction <maximumf>, %reduce_max3A_31, %reduce_max3A_32 [1, 2] : vector<1x1x1xf32> to vector<1xf32>
    %reduce_max3A_34 = vector.shape_cast %reduce_max3A_33 : vector<1xf32> to vector<1x1x1xf32>
    %reduce_max3A_35 = vector.extract %reduce_max3A_34[0, 0, 0] : f32 from vector<1x1x1xf32>
    %max3A = arith.maximumf %reduce_max3A_27, %reduce_max3A_35 : f32
    %swap3A_36 = arith.constant 0 : index
    %swap3A_37 = memref.load %arg5[%swap3A_36] : memref<1xf32, #tpu.memory_space<smem>>
    memref.store %max3A, %arg5[%swap3A_36] : memref<1xf32, #tpu.memory_space<smem>>
    return
  }
}

</mosaic_0001>

<sc_bundles>
// kernel: kernel.5.cloned.1.call-start
scs
__scs_entry_jumppad:
0x0: {  	(pc) =	sbr.rel $0x88, $3  }
0x1: {  	(tag) =	ssettag $0x0;
	lr =	simm.s32 $0x1  }
0x2: {  	[smem:$0x3F97] =	sst lr;
	_ =	strace $0xD0000000  }
0x3: {  	_ = 	snop  }
0x4: {  	_ = 	snop  }
0x5: {  	_ = 	snop  }
0x6: {  	_ = 	snop  }
0x7: {  	_ = 	snop  }
__scs_overlays_trampoline_lowered:
0x8: {  	[smem:$0x3FA6] =	sst s0  }
0x9: {  	[smem:$0x3FA7] =	sst s1  }
0xa: {  	[smem:$0x3FA8] =	sst s2  }
0xb: {  	[smem:$0x3FA9] =	sst s3  }
0xc: {  	[smem:$0x3FAA] =	sst s4  }
0xd: {  	[smem:$0x3FAB] =	sst s5  }
0xe: {  	[smem:$0x3FAC] =	sst s6  }
0xf: {  	[smem:$0x3FAD] =	sst s7  }
0x10: {  	[smem:$0x3FAE] =	sst s8  }
0x11: {  	[smem:$0x3FAF] =	sst s9;
	s0 =	simm.s32 @!p0 $0x0  }
0x12: {  	s1 =	sld [smem:$0x3F95];
	s0 =	simm.s32 @p0 $0x1  }
0x13: {  	[smem:$0x3FB0] =	sst s0;
	s0 =	simm.s32 @!p1 $0x0  }
0x14: {  	s2 =	sld [smem:$0x3F94];
	s0 =	simm.s32 @p1 $0x1  }
0x15: {  	[smem:$0x3FB1] =	sst s0;
	s0 =	simm.s32 @!p2 $0x0  }
0x16: {  	s3 =	sld [smem:$0x3FDB];
	s0 =	simm.s32 @p2 $0x1  }
0x17: {  	s4 =	simm.s32 $0x1BF5;
	[smem:$0x3FB3] =	sst s0  }
0x18: {  	s0 =	sld [smem:$0x3F96];
	_ =	swait.ge [sflag:s4], $0x0  }
0x19: {  	s7 =	sld [smem:$0x3F97]  }
0x1a: {  	s8 =	sadd.s32 $0xFFFFE003, lr  }
0x1b: {  	s9 =	sadd.s32 $0xFFFFFEF7, lr;
	s5 =	simm.s32 $0xFFFFFFFF;
	p2 =	slt.u32 s8, $0xFFFFF086  }
0x1c: {  	p1 =	slt.u32 s9, $0xF7A;
	s5 =	simm.s32 @!p2 $0x0  }
0x1d: {  	s5 =	simm.s32 @p1 $0x1;
	p0 =	seq.s32 s7, s2  }
0x1e: {  	s7 =	smul.u32 @!p0 $0xF7A, s2;
	p2 =	seq.s32 @!p0 s5, $0x0  }
0x1f: {  	s9 =	smul.u32 $0xF7A, s1;
	s8 =	simm.s32 @!p0 $0x1BF5;
	p2 =	por !p2, p0  }
0x20: {  	[sflag:s8] =	ssyncset.s32 @!p0 $0xFFFFF086;
	s6 =	sadd.s32 @!p0 s3, s7;
	s7 =	simm.s32 @!p0 $0x108  }
0x21: {  	s3 =	sadd.s32 s3, s9;
	s6 =	sadd.s32 @!p0 $0x88, s6;
	s7 =	simm.s32 @p2 $0x1082  }
0x22: {  	[simem:s7], [sflag:s8] =	dma.local @!p0 [hbm:s6], $0xF7A  }
0x23: {  	s9 =	sor.u32 $0xD0000000, s2;
	s6 =	simm.s32 $0x108;
	_ =	swait.ge @!p0 [sflag:s8], $0x0  }
0x24: {  	s3 =	sadd.s32 $0x88, s3;
	s6 =	simm.s32 @!p1 $0x1082;
	[sflag:s4] =	ssyncset.s32 $0xFFFFF086  }
0x25: {  	[simem:s6], [sflag:s4] =	dma.local [hbm:s3], $0xF7A  }
0x26: {  	[smem:$0x3F97] =	sst s1;
	(tag) =	ssettag s2;
	_ =	strace s9  }
0x27: {  	s1 =	sld [smem:$0x3FA7]  }
0x28: {  	s2 =	sld [smem:$0x3FA8]  }
0x29: {  	s4 =	sld [smem:$0x3FAA]  }
0x2a: {  	p0 =	seq.s32 s5, $0x0;
	s5 =	sld [smem:$0x3FAB]  }
0x2b: {  	s6 =	sld [smem:$0x3FAC]  }
0x2c: {  	s7 =	sld [smem:$0x3FAD]  }
0x2d: {  	s3 =	simm.s32 $0x108;
	s8 =	sld [smem:$0x3FAE]  }
0x2e: {  	s3 =	simm.s32 @!p0 $0x1082;
	s9 =	sld [smem:$0x3FAF]  }
0x2f: {  	lr =	sadd.s32 s0, s3;
	s0 =	sld [smem:$0x3FA6]  }
0x30: {  	s3 =	sld [smem:$0x3FA9]  }
0x31: {  	[smem:$0x3FB2] =	sst s10  }
0x32: {  	s10 =	sld [smem:$0x3FB0];
	_ =	sdelay $0x3  }
0x33: {  	p0 =	seq.s32 s10, $0x1;
	s10 =	sld [smem:$0x3FB2];
	_ =	sdelay $0x3  }
0x34: {  	[smem:$0x3FB2] =	sst s10  }
0x35: {  	s10 =	sld [smem:$0x3FB1];
	_ =	sdelay $0x3  }
0x36: {  	p1 =	seq.s32 s10, $0x1;
	s10 =	sld [smem:$0x3FB2];
	_ =	sdelay $0x3  }
0x37: {  	[smem:$0x3FB2] =	sst s10  }
0x38: {  	s10 =	sld [smem:$0x3FB3]  }
0x39: {  	_ = 	snop;
	(pc) =	sbr.ind lr, $3  }
0x3a: {  	_ = 	snop  }
0x3b: {  	_ = 	snop  }
0x3c: {  	p2 =	seq.s32 s10, $0x1;
	s10 =	sld [smem:$0x3FB2]  }
0x3d: {  	_ =	shalt  }
0x3e: {  	_ =	shalt  }
0x3f: {  	_ =	shalt  }
0x40: {  	_ =	shalt  }
0x41: {  	_ =	shalt  }
0x42: {  	_ =	shalt  }
0x43: {  	_ =	shalt  }
0x44: {  	_ =	shalt  }
0x45: {  	_ =	shalt  }
0x46: {  	_ =	shalt  }
0x47: {  	_ =	shalt  }
0x48: {  	_ =	shalt  }
0x49: {  	_ =	shalt  }
0x4a: {  	_ =	shalt  }
0x4b: {  	_ =	shalt  }
0x4c: {  	_ =	shalt  }
0x4d: {  	_ =	shalt  }
0x4e: {  	_ =	shalt  }
0x4f: {  	_ =	shalt  }
0x50: {  	_ =	shalt  }
0x51: {  	_ =	shalt  }
0x52: {  	_ =	shalt  }
0x53: {  	_ =	shalt  }
0x54: {  	_ =	shalt  }
0x55: {  	_ =	shalt  }
0x56: {  	_ =	shalt  }
0x57: {  	_ =	shalt  }
0x58: {  	_ =	shalt  }
0x59: {  	_ =	shalt  }
0x5a: {  	_ =	shalt  }
0x5b: {  	_ =	shalt  }
0x5c: {  	_ =	shalt  }
0x5d: {  	_ =	shalt  }
0x5e: {  	_ =	shalt  }
0x5f: {  	_ =	shalt  }
0x60: {  	_ =	shalt  }
0x61: {  	_ =	shalt  }
0x62: {  	_ =	shalt  }
0x63: {  	_ =	shalt  }
0x64: {  	_ =	shalt  }
0x65: {  	_ =	shalt  }
0x66: {  	_ =	shalt  }
0x67: {  	_ =	shalt  }
0x68: {  	_ =	shalt  }
0x69: {  	_ =	shalt  }
0x6a: {  	_ =	shalt  }
0x6b: {  	_ =	shalt  }
0x6c: {  	_ =	shalt  }
0x6d: {  	_ =	shalt  }
0x6e: {  	_ =	shalt  }
0x6f: {  	_ =	shalt  }
0x70: {  	_ =	shalt  }
0x71: {  	_ =	shalt  }
0x72: {  	_ =	shalt  }
0x73: {  	_ =	shalt  }
0x74: {  	_ =	shalt  }
0x75: {  	_ =	shalt  }
0x76: {  	_ =	shalt  }
0x77: {  	_ =	shalt  }
0x78: {  	_ =	shalt  }
0x79: {  	_ =	shalt  }
0x7a: {  	_ =	shalt  }
0x7b: {  	_ =	shalt  }
0x7c: {  	_ =	shalt  }
0x7d: {  	_ =	shalt  }
0x7e: {  	_ =	shalt  }
0x7f: {  	_ =	shalt  }
0x80: {  	_ =	shalt  }
0x81: {  	_ =	shalt  }
0x82: {  	_ =	shalt  }
0x83: {  	_ =	shalt  }
0x84: {  	_ =	shalt  }
0x85: {  	_ =	shalt  }
0x86: {  	_ =	shalt  }
0x87: {  	_ =	shalt  }
.Lfunc_end0:
.L_simem_size_0:
called_computation_lowered:
.L_overlay_start_0:
0x88: {  	s2 =	sld [smem:$0x3FD9]  }
0x89: {  	s3 =	sld [smem:$0x3FFE];
	_ =	sdelay $0x1  }
0x8a: {  	s1 =	srdreg.scid  }
0x8b: {  	s0 =	sand.u32 $0x1, s1  }
0x8c: {  	s17 =	sshll.u32 s0, $0xA;
	s2 =	sadd.s32 s3, s2  }
0x8d: {  	s2 =	sadd.s32 s2, s17  }
0x8e: {  	[smem:$0x3FBE] =	sst s2  }
0x8f: {  	_ = 	snop  }
0x90: {  	s2 =	sld [smem:$0x3FC9]  }
0x91: {  	s18 =	sld [smem:$0x3FC8]  }
0x92: {  	s4 =	sld [smem:$0x3FC7]  }
0x93: {  	s5 =	sld [smem:$0x3FC6]  }
0x94: {  	s6 =	sld [smem:$0x3FC0];
	(tm) =	ssettm $0x1  }
0x95: {  	s7 =	sld [smem:$0x3FFB];
	_ =	sdelay $0x3  }
0x96: {  	_ =	strace s7  }
0x97: {  	s7 =	sld [smem:$0x3FFC];
	_ =	sdelay $0x3  }
0x98: {  	_ =	strace s7  }
0x99: {  	s7 =	sld [smem:$0x3FFD];
	_ =	sdelay $0x3  }
0x9a: {  	_ =	strace s7  }
0x9b: {  	_ =	strace $0x8FFFFFFF  }
0x9c: {  	s19 =	sld [smem:$0x3FDB];
	_ =	sdelay $0x1  }
0x9d: {  	s8 =	simm.s32 $_scs_section_size  }
0x9e: {  	s9 =	simm.s32 $_size__tile_overlayer_lowered;
	s10 =	simm.s32 $_tile_overlayer_lowered  }
0x9f: {  	s22 =	simm.s32 $0x1BFF;
	s21 =	sshll.u32 s10, $0x1;
	s7 =	sadd.s32 s8, s19  }
0xa0: {  	s11 =	simm.s32 $0x0;
	s20 =	sshll.u32 s9, $0x1;
	s9 =	sadd.s32 s21, s7  }
0xa1: {  	[timem:s11], [sflag:s22] =	dma.local [hbm:s9], s20  }
0xa2: {  	_ =	swait.ge [sflag:s22], s20  }
0xa3: {  	s8 =	ssub.s32 $0x0, s20;
	[sflag:s22] =	ssyncset.done $0x0  }
0xa4: {  	[sflag:s22] =	ssyncadd.s32 s8;
	_ =	sdelay $0x1  }
0xa5: {  	s23 =	simm.s32 $0x1B8B  }
0xa6: {  	_ =	swait.ge [sflag:s23], $0x1  }
0xa7: {  	[sflag:s23] =	ssyncset.done $0x0  }
0xa8: {  	s25 =	simm.s32 $0x1B8E;
	s24 =	sld [smem:$0x3FFE];
	[sflag:s23] =	ssyncadd.s32 $0xFFFFFFFF  }
0xa9: {  	s26 =	simm.s32 $execute0_lowered;
	[smem:$0x3FD2] =	sst s25  }
0xaa: {  	s9 =	sshll.u32 s26, $0x1;
	_ =	strace $0x80000046;
	[dreg:$0x1] =	wrdreg $0xFFFFFFFF  }
0xab: {  	s28 =	simm.s32 $_size_execute0_lowered;
	s7 =	sadd.s32 s7, s9;
	[dreg:$0x0] =	wrdreg $0x0  }
0xac: {  	s9 =	sshll.u32 s28, $0x1;
	[dreg:$0x2] =	wrdreg s7  }
0xad: {  	[dreg:$0x3] =	wrdreg s9  }
0xae: {  	[dreg:$0x4] =	wrdreg $0xC0  }
0xaf: {  	_ =	task [dreg:s11], $0x5FFFF  }
0xb0: {  	[dreg:$0x1] =	wrdreg $0xFFFFFFFF  }
0xb1: {  	[dreg:$0x0] =	wrdreg $0x60  }
0xb2: {  	[dreg:$0x2] =	wrdreg s2  }
0xb3: {  	[dreg:$0x3] =	wrdreg s18  }
0xb4: {  	[dreg:$0x4] =	wrdreg s4  }
0xb5: {  	[dreg:$0x5] =	wrdreg s5  }
0xb6: {  	[dreg:$0x6] =	wrdreg s6  }
0xb7: {  	[dreg:$0x7] =	wrdreg s24  }
0xb8: {  	[dreg:$0x8] =	wrdreg $0x9  }
0xb9: {  	_ =	task.clear_ibuf [dreg:s11], $0x9FFFF;
	_ =	strace $0x90000046  }
0xba: {  	s29 =	simm.s32 $0x9;
	_ =	strace $0x80000048  }
0xbb: {  	_ =	swait.ge [sflag:s29], $0x1  }
0xbc: {  	[sflag:s29] =	ssyncadd.s32 $0xFFFFFFFF  }
0xbd: {  	_ =	strace $0x90000048  }
0xbe: {  	_ =	sfence  }
0xbf: {  	s30 =	sld [smem:$0x0];
	_ =	sdelay $0x2  }
0xc0: {  	s31 =	sshll.u32 s1, $0xD;
	s1 =	sshrl.u32 s1, $0x2  }
0xc1: {  	s3 =	sand.u32 $0x4000, s31;
	s1 =	sadd.s32 s1, s30  }
0xc2: {  	s0 =	sor.u32 s3, s0;
	s1 =	sshll.u32 s1, $0x11  }
0xc3: {  	s0 =	sor.u32 s1, s0  }
0xc4: {  	s0 =	sadd.s32 $0x8F2B, s0  }
0xc5: {  	[sflag:s0] =	ssyncadd.remote.s32 $0x1  }
0xc6: {  	_ =	sfence.sel $0xFFFF  }
0xc7: {  	[dreg:$0x0] =	wrdreg $0xFFFFFFFF;
	(pc) =	sbr.abs _section_cstart, $3  }
0xc8: {  	[dreg:$0x1] =	wrdreg $0xFFFFFFFF  }
0xc9: {  	_ =	task.clear_ibuf [dreg:s11], $0x2FFFF;
	_ =	strace $0x9FFFFFFF  }
0xca: {  	(tm) =	ssettm $0x7FFFFFFF  }
0xcb: {  	_ =	shalt  }
tec
execute0_lowered:
.L_overlay_start_1:
0x0: {  	(tag) =	ssettag $0x1  }
0x1: {  	s5 =	rddreg [dreg:$0x0]  }
0x2: {  	s6 =	rddreg [dreg:$0x1]  }
0x3: {  	s7 =	rddreg [dreg:$0x2]  }
0x4: {  	s8 =	rddreg [dreg:$0x3]  }
0x5: {  	s2 =	rddreg [dreg:$0x4]  }
0x6: {  	s0 =	srdreg.scid;
	s11 =	rddreg [dreg:$0x5];
	s3 =	simm.s32 $0x0  }
0x7: {  	s16 =	simm.s32 $0x1;
	s17 =	simm.s32 $0x400;
	s18 =	simm.s32 $0x2  }
0x8: {  	s19 =	simm.s32 $0x8080;
	s20 =	simm.s32 $0x8280;
	s21 =	simm.s32 $0x0  }
0x9: {  	s4 =	sand.u32 $0x1, s0;
	s0 =	stileid.u32;
	[smem:$0x7FF] =	sst s3  }
0xa: {  	s1 =	sshll.u32 s4, $0x4;
	s28 =	sshll.u32 s0, $0x9;
	s14 =	sshll.u32 s0, $0x4  }
0xb: {  	s4 =	ssub.s32 $0x2, s4;
	s9 =	sor.u32 s0, s1;
	s12 =	sand.u32 $0x200, s28  }
0xc: {  	s1 =	rddreg [dreg:$0x6];
	_ =	strace $0x80000047;
	s15 =	sshrl.u32 s4, $0x1  }
0xd: {  	s14 =	sand.u32 $0x70, s14;
	s10 =	sshrl.u32 s9, $0x1;
	s29 =	ssub.s32 s4, s15  }
0xe: {  	s4 =	sshll.u32 s9, $0x2;
	s9 =	sshll.u32 s9, $0x4;
	s15 =	simm.s32 $0x4000  }
0xf: {  	s13 =	sshll.u32 s10, $0xA;
	s10 =	sshll.u32 s10, $0xF;
	s30 =	sand.u32 $0x180, s9  }
0x10: {  	s13 =	sor.u32 s12, s13;
	s10 =	sor.u32 s12, s10;
	s12 =	simm.s32 $0x8000  }
.Ltmp0:
0x11: {  	s13 =	sshrl.u32 s13, $0x3;
	s10 =	sshrl.u32 s10, $0x3;
	(pc) =	sbr.rel .LBB2_1-.Ltmp0, $4  }
0x12: {  	s13 =	sadd.s32 s13, s11;
	s11 =	sadd.s32 s14, s11;
	s5 =	sadd.s32 s5, s10  }
0x13: {  	v0 =	vlaneseq.u32;
	s6 =	sadd.s32 s6, s10;
	s7 =	sadd.s32 s7, s10;
	s8 =	sadd.s32 s8, s10  }
0x14: {  	v3 =	vand.u32 $0x7, v0;
	s14 =	simm.s32 $0x200;
	s9 =	sadd.s32 $0x1C00, s13;
	s31 =	sadd.s32 s30, s11  }
0x15: {  	v1 =	vimm.f32 $0.0e+00;
	v2 =	vmul.u32 $0x10, v0;
	v3 =	vmul.u32 $0x10, v3;
	s11 =	smax.u32 s29, $0x1;
	s13 =	simm.s32 $0x3;
	s10 =	sadd.s32 $0x2400, s31  }
.LBB2_33:
0x16: {  	v4 =	vmov s22  }
0x17: {  	[tilespmem:$0x8280] =	vst v4  }
0x18: {  	[hbm4b:s9+s3] =	stream.linear.scatter [tilespmem:s19], [sflag:$0x3], $0x200, $0x38;
	[tilespmem:$0x8300] =	vst v63  }
0x19: {  	s21 =	sadd.s32 $0x1, s21;
	_ =	swait.ge [sflag:s13], $0x200  }
0x1a: {  	p0 =	sne.s32 s21, s11;
	[sflag:s13] =	ssyncset.done $0x0  }
.Ltmp1:
0x1b: {  	[sflag:s13] =	ssyncadd.s32 $0xFFFFFE00;
	(pc) =	sbr.rel @!p0 .LBB2_34-.Ltmp1, $4  }
0x1c: {  	[hbm4b:s10+s3] =	stream.linear.scatter [tilespmem:s20], [sflag:$0x3], $0x80, $0x38;
	[tilespmem:$0x8300] =	vst v63  }
0x1d: {  	_ =	swait.ge [sflag:s13], $0x80  }
0x1e: {  	[sflag:s13] =	ssyncset.done $0x0  }
0x1f: {  	[sflag:s13] =	ssyncadd.s32 $0xFFFFFF80  }
.LBB2_1:
0x20: {  	[tilespmem:s12], [sflag:$0x3] =	stream.linear.gather [hbm4b:s2+s3], $0x80, $0x38;
	[tilespmem:$0x8300] =	vst v63  }
0x21: {  	_ =	swait.ge [sflag:s13], $0x80  }
0x22: {  	[sflag:s13] =	ssyncset.done $0x0  }
0x23: {  	[sflag:s13] =	ssyncadd.s32 $0xFFFFFF80  }
0x24: {  	[tilespmem:s3], [sflag:$0x1] =	stream.strided.gather [hbm4b:s5+s14], $0x4000, s17, s14, $0x38;
	[tilespmem:$0x8300] =	vst v63  }
0x25: {  	[tilespmem:$0x8080] =	vst v1  }
0x26: {  	[tilespmem:$0x8100] =	vst v1  }
0x27: {  	[tilespmem:$0x8180] =	vst v1  }
.Ltmp2:
0x28: {  	[tilespmem:$0x8200] =	vst v1;
	(pc) =	sbr.rel .LBB2_2-.Ltmp2, $4  }
0x29: {  	[tilespmem:s15], [sflag:$0x2] =	stream.strided.gather [hbm4b:s6+s14], $0x4000, s17, s14, $0x38;
	[tilespmem:$0x8300] =	vst v63  }
0x2a: {  	_ =	swait.ge [sflag:s16], $0x4000  }
0x2b: {  	s22 =	simm.f32 $-Inf;
	[sflag:s16] =	ssyncset.done $0x0  }
0x2c: {  	s23 =	simm.s32 $0x400;
	s24 =	simm.s32 $0x0;
	[sflag:s16] =	ssyncadd.s32 $0xFFFFC000  }
.LBB2_8:
0x2d: {  	s28 =	sshll.u32 s24, $0x7  }
0x2e: {  	s28 =	sand.u32 $0x3FFFFF80, s28  }
0x2f: {  	s24 =	sadd.s32 $0x1, s24;
	v4 =	vld [tilespmem:s28+$0x8080]  }
0x30: {  	p0 =	sne.s32 s24, $0x4  }
.Ltmp3:
0x31: {  	_ = 	snop;
	(pc) =	sbr.rel @!p0 .LBB2_9-.Ltmp3, $4  }
0x32: {  	_ = 	snop  }
0x33: {  	vm0 =	veq.s32 v0, $0x0  }
0x34: {  	v4 =	vsel vm0, s26, v4  }
0x35: {  	s22 =	smax.f32 s22, s25;
	s23 =	sadd.s32 $0x80, s23;
	[tilespmem:s28+$0x8080] =	vst v4  }
.LBB2_2:
0x36: {  	v13 =	vld [tilespmem:s23+$0x200]  }
0x37: {  	v14 =	vld [tilespmem:s23+$0x210]  }
0x38: {  	v7 =	vld [tilespmem:s23+$0x220]  }
0x39: {  	v8 =	vld [tilespmem:s23+$0x230]  }
0x3a: {  	v9 =	vld [tilespmem:s23+$0x240]  }
0x3b: {  	v6 =	vld [tilespmem:s23+$0x250]  }
0x3c: {  	v5 =	vld [tilespmem:s23+$0x260]  }
0x3d: {  	v16 =	vld [tilespmem:s23+$0x0]  }
0x3e: {  	v17 =	vld [tilespmem:s23+$0x10]  }
0x3f: {  	v21 =	vld [tilespmem:s23+$0x20]  }
0x40: {  	v26 =	vld [tilespmem:s23+$0x30]  }
0x41: {  	v27 =	vld [tilespmem:s23+$0x40]  }
0x42: {  	v10 =	vld [tilespmem:s23+$0x50]  }
0x43: {  	v11 =	vld [tilespmem:s23+$0x60]  }
0x44: {  	v19 =	vld [tilespmem:s23+$0xFFFFFE00]  }
0x45: {  	v20 =	vld [tilespmem:s23+$0xFFFFFE10]  }
0x46: {  	v24 =	vld [tilespmem:s23+$0xFFFFFE20]  }
0x47: {  	v25 =	vld [tilespmem:s23+$0xFFFFFE30]  }
0x48: {  	v28 =	vld [tilespmem:s23+$0xFFFFFE40]  }
0x49: {  	v18 =	vld [tilespmem:s23+$0xFFFFFC00]  }
0x4a: {  	s25 =	sor.u32 s4, s24;
	v22 =	vld [tilespmem:s23+$0xFFFFFC10]  }
0x4b: {  	v15 =	vld [tilespmem:s23+$0xFFFFFE50];
	v4 =	vmov s25  }
0x4c: {  	v23 =	vld [tilespmem:s23+$0xFFFFFC20]  }
0x4d: {  	v29 =	vld [tilespmem:s23+$0xFFFFFC30]  }
0x4e: {  	v12 =	vimm.f32 $-Inf;
	v30 =	vld [tilespmem:s23+$0xFFFFFC40]  }
0x4f: {  	v31 =	vmax.f32 v12, v18;
	v18 =	vld [tilespmem:s23+$0xFFFFFE60]  }
0x50: {  	v22 =	vmax.f32 v12, v22;
	v4 =	vld.idx.msk [tilespmem:v4+s12+$0x0], $0xffff;
	v31 =	vmax.f32 v31, v19  }
0x51: {  	v19 =	vld [tilespmem:s23+$0xFFFFFC50];
	v22 =	vmax.f32 v22, v20;
	v16 =	vmax.f32 v31, v16  }
0x52: {  	v20 =	vld [tilespmem:s23+$0xFFFFFC60];
	v17 =	vmax.f32 v22, v17;
	v13 =	vmax.f32 v16, v13  }
0x53: {  	v22 =	vld [tilespmem:s23+$0xFFFFFC70];
	v14 =	vmax.f32 v17, v14;
	v16 =	vmax.f32 v12, v23;
	v17 =	vmax.f32 v12, v29  }
0x54: {  	v29 =	vmax.f32 v12, v30;
	v23 =	vld [tilespmem:s23+$0xFFFFFE70];
	v16 =	vmax.f32 v16, v24;
	v17 =	vmax.f32 v17, v25  }
0x55: {  	v28 =	vmax.f32 v29, v28;
	v24 =	vld [tilespmem:s23+$0x70];
	v25 =	vmax.f32 v16, v21;
	v26 =	vmax.f32 v17, v26  }
0x56: {  	s26 =	sadd.s32 $0x800, s23;
	s25 =	simm.s32 $0x0;
	v27 =	vmax.f32 v28, v27;
	v21 =	vld [tilespmem:s23+$0x270];
	v16 =	vimm.f32 $-Inf;
	v17 =	vimm.f32 $-Inf  }
.LBB2_3:
0x57: {  	v28 =	vld [tilespmem:s26+$0x200];
	v25 =	vmax.f32 v25, v7;
	v26 =	vmax.f32 v26, v8;
	v27 =	vmax.f32 v27, v9  }
0x58: {  	v8 =	vmax.f32 v12, v19;
	v9 =	vmax.f32 v16, v20;
	v29 =	vld [tilespmem:s26+$0x210];
	v12 =	vmax.f32 v17, v22  }
0x59: {  	v15 =	vmax.f32 v8, v15;
	v9 =	vmax.f32 v9, v18;
	v7 =	vld [tilespmem:s26+$0x220];
	v12 =	vmax.f32 v12, v23  }
0x5a: {  	v10 =	vmax.f32 v15, v10;
	v11 =	vmax.f32 v9, v11;
	v8 =	vld [tilespmem:s26+$0x230];
	v15 =	vmax.f32 v12, v24  }
0x5b: {  	v12 =	vmax.f32 v10, v6;
	v16 =	vmax.f32 v11, v5;
	v9 =	vld [tilespmem:s26+$0x240];
	v17 =	vmax.f32 v15, v21  }
0x5c: {  	v6 =	vld [tilespmem:s26+$0x250]  }
0x5d: {  	v5 =	vld [tilespmem:s26+$0x260]  }
0x5e: {  	v21 =	vld [tilespmem:s26+$0x0]  }
0x5f: {  	v22 =	vld [tilespmem:s26+$0x10]  }
0x60: {  	v30 =	vld [tilespmem:s26+$0x20]  }
0x61: {  	v31 =	vld [tilespmem:s26+$0x30]  }
0x62: {  	v32 =	vld [tilespmem:s26+$0x40]  }
0x63: {  	v10 =	vld [tilespmem:s26+$0x50]  }
0x64: {  	v11 =	vld [tilespmem:s26+$0x60]  }
0x65: {  	v20 =	vld [tilespmem:s26+$0xFFFFFE00]  }
0x66: {  	v23 =	vld [tilespmem:s26+$0xFFFFFE10]  }
0x67: {  	v24 =	vld [tilespmem:s26+$0xFFFFFE20]  }
0x68: {  	v33 =	vld [tilespmem:s26+$0xFFFFFE30]  }
0x69: {  	v34 =	vld [tilespmem:s26+$0xFFFFFE40]  }
0x6a: {  	v18 =	vld [tilespmem:s26+$0xFFFFFC00]  }
0x6b: {  	v19 =	vld [tilespmem:s26+$0xFFFFFC10]  }
0x6c: {  	v15 =	vld [tilespmem:s26+$0xFFFFFE50]  }
0x6d: {  	v35 =	vld [tilespmem:s26+$0xFFFFFC20]  }
0x6e: {  	v36 =	vld [tilespmem:s26+$0xFFFFFC30]  }
0x6f: {  	v37 =	vld [tilespmem:s26+$0xFFFFFC40]  }
0x70: {  	s25 =	sadd.s32 $0x20, s25;
	v13 =	vmax.f32 v13, v18;
	v14 =	vmax.f32 v14, v19;
	v18 =	vld [tilespmem:s26+$0xFFFFFE60]  }
0x71: {  	p0 =	slt.u32 s25, $0xE0;
	v13 =	vmax.f32 v13, v20;
	v19 =	vld [tilespmem:s26+$0xFFFFFC50];
	v14 =	vmax.f32 v14, v23  }
.Ltmp4:
0x72: {  	v13 =	vmax.f32 v13, v21;
	v20 =	vld [tilespmem:s26+$0xFFFFFC60];
	v14 =	vmax.f32 v14, v22;
	(pc) =	sbr.rel @p0 .LBB2_3-.Ltmp4, $4  }
0x73: {  	v13 =	vmax.f32 v13, v28;
	v22 =	vld [tilespmem:s26+$0xFFFFFC70];
	v14 =	vmax.f32 v14, v29  }
0x74: {  	v21 =	vmax.f32 v25, v35;
	v25 =	vmax.f32 v26, v36;
	v26 =	vmax.f32 v27, v37;
	v23 =	vld [tilespmem:s26+$0xFFFFFE70]  }
0x75: {  	v21 =	vmax.f32 v21, v24;
	v27 =	vmax.f32 v25, v33;
	v28 =	vmax.f32 v26, v34;
	v24 =	vld [tilespmem:s26+$0x70]  }
0x76: {  	v25 =	vmax.f32 v21, v30;
	v26 =	vmax.f32 v27, v31;
	v27 =	vmax.f32 v28, v32;
	v21 =	vld [tilespmem:s26+$0x270];
	s26 =	sadd.s32 $0x800, s26  }
0x77: {  	v7 =	vmax.f32 v25, v7;
	v8 =	vmax.f32 v26, v8;
	v9 =	vmax.f32 v27, v9  }
0x78: {  	v12 =	vmax.f32 v12, v19;
	v16 =	vmax.f32 v16, v20;
	v61 =	vmax.f32 v13, v14  }
0x79: {  	v63 =	vmov s24;
	v17 =	vmax.f32 v17, v22;
	v12 =	vmax.f32 v12, v15  }
0x7a: {  	v59 =	vmax.f32 v16, v18;
	v7 =	vmax.f32 v61, v7;
	v60 =	vmax.f32 v17, v23  }
0x7b: {  	v10 =	vmax.f32 v12, v10;
	v11 =	vmax.f32 v59, v11;
	v7 =	vmax.f32 v7, v8  }
0x7c: {  	v8 =	vshll.u32 v63, $0x7;
	v62 =	vmax.f32 v60, v24;
	v6 =	vmax.f32 v10, v6  }
0x7d: {  	v7 =	vmax.f32 v7, v9;
	v9 =	vshll.u32 v4, $0x2;
	v8 =	vand.u32 $0x180, v8  }
0x7e: {  	v10 =	vand.u32 $0x7F, v4;
	v9 =	vand.u32 $0xFFFFFE00, v9;
	v8 =	vbroadcast v8, $0x0  }
0x7f: {  	v5 =	vmax.f32 v11, v5;
	v6 =	vmax.f32 v7, v6;
	v7 =	vor.u32 v9, v10  }
0x80: {  	v9 =	vmax.f32 v62, v21;
	v5 =	vmax.f32 v6, v5;
	v6 =	vor.u32 v8, v7  }
0x81: {  	v5 =	vmax.f32 v5, v9  }
0x82: {  	(xrf0) =	vmax.scan.msk.f32 $0xffff, v5;
	_ =	sdelay $0x2  }
0x83: {  	v6 =	vld.idx.msk [tilespmem:v6+s3+$0x0], $0xffff;
	_ =	sdelay $0x2  }
0x84: {  	v7, _, _ =	vpop (xrf0)  }
0x85: {  	(v2sf) =	vpush v7, $0xF  }
0x86: {  	(v2sf) =	vpush v6, $0x0;
	_ =	sdelay $0xd  }
0x87: {  	s25 =	spop (v2sf)  }
0x88: {  	s26 =	spop (v2sf)  }
0x89: {  	p0 =	sge.f32 s26, s25  }
.Ltmp5:
0x8a: {  	_ = 	snop;
	(pc) =	sbr.rel @!p0 .LBB2_8-.Ltmp5, $2  }
0x8b: {  	_ =	sdelay $0x2  }
0x8c: {  	s26 =	simm.f32 $0.0e+00  }
0x8d: {  	v6 =	vand.u32 $0xF, v4  }
0x8e: {  	s26 =	simm.s32 $0x300;
	v7 =	vor.u32 v2, v6  }
0x8f: {  	s28 =	simm.s32 $0x200;
	v13 =	vor.u32 s26, v7  }
0x90: {  	v8 =	vor.u32 v8, v6;
	v14 =	vor.u32 s28, v7;
	v9 =	vshll.u32 v13, $0x2  }
0x91: {  	s29 =	simm.s32 $0x100;
	v8 =	vor.u32 v3, v8;
	v10 =	vshll.u32 v14, $0x2;
	v9 =	vand.u32 $0x7FFFFE00, v9  }
0x92: {  	s30 =	simm.s32 $0x0;
	v15 =	vor.u32 s29, v7;
	v10 =	vand.u32 $0x7FFFFA00, v10;
	v11 =	vor.u32 v8, v9  }
0x93: {  	v21 =	vor.u32 s30, v7;
	v9 =	vshll.u32 v15, $0x2;
	v10 =	vor.u32 v8, v10  }
0x94: {  	v12 =	vshll.u32 v21, $0x2;
	v9 =	vand.u32 $0x7FFFF600, v9  }
0x95: {  	v16 =	vor.u32 v8, v9;
	v9 =	vand.u32 $0x3200, v12  }
0x96: {  	v17 =	vor.u32 v8, v9  }
0x97: {  	s31 =	simm.s32 $0x500;
	s30 =	simm.s32 $0x600;
	s29 =	simm.s32 $0x700;
	vm0 =	veq.s32 v14, v4;
	v18 =	vld.idx.msk [tilespmem:v11+s3+$0x0], $0xffff  }
0x98: {  	v12 =	vor.u32 s29, v7;
	v20 =	vld.idx.msk [tilespmem:v10+s3+$0x0], $0xffff;
	v10 =	vor.u32 s31, v7;
	v11 =	vor.u32 s30, v7  }
0x99: {  	v23 =	vshll.u32 v12, $0x2;
	v19 =	vshll.u32 v10, $0x2;
	v22 =	vshll.u32 v11, $0x2  }
0x9a: {  	v24 =	vld.idx.msk [tilespmem:v16+s3+$0x0], $0xffff;
	v16 =	vand.u32 $0x7FFFF600, v19;
	v19 =	vand.u32 $0x7FFFFA00, v22;
	v22 =	vand.u32 $0x7FFFFE00, v23  }
0x9b: {  	vm1 =	veq.s32 v13, v4;
	v9 =	vimm.f32 $-Inf;
	s31 =	simm.s32 $0x400;
	v23 =	vld.idx.msk [tilespmem:v17+s3+$0x0], $0xffff;
	v22 =	vor.u32 v8, v22  }
0x9c: {  	v16 =	vor.u32 v8, v16;
	v19 =	vor.u32 v8, v19;
	v17 =	vor.u32 s31, v7  }
0x9d: {  	v13 =	vshll.u32 v17, $0x2;
	v14 =	vmax.f32 v9, v20;
	v18 =	vmax.f32 v9, v18  }
0x9e: {  	v20 =	vand.u32 $0x3200, v13;
	v13 =	vsel vm0, v9, v14;
	v14 =	vsel vm1, v9, v18  }
0x9f: {  	v20 =	vor.u32 v8, v20;
	vm1 =	veq.s32 v15, v4;
	v15 =	vmax.f32 v9, v24  }
0xa0: {  	s26 =	simm.s32 $0x800;
	vm0 =	veq.s32 v21, v4;
	v18 =	vld.idx.msk [tilespmem:v22+s3+$0x0], $0xffff;
	v21 =	vmax.f32 v9, v23;
	v15 =	vsel vm1, v9, v15  }
.LBB2_6:
0xa1: {  	s28 =	sadd.s32 $0x100, s26;
	s29 =	sadd.s32 $0x200, s26;
	s30 =	sadd.s32 $0x300, s26;
	v22 =	vld.idx.msk [tilespmem:v19+s3+$0x0], $0xffff;
	v9 =	vsel vm0, v9, v21;
	v21 =	vmov v17  }
0xa2: {  	p0 =	sne.s32 s26, $0xC00;
	v23 =	vor.u32 s28, v7;
	v24 =	vor.u32 s29, v7;
	v25 =	vor.u32 s30, v7;
	v26 =	vld.idx.msk [tilespmem:v16+s3+$0x0], $0xffff;
	s28 =	smov.u32 s26;
	s26 =	sadd.s32 $0x400, s26  }
0xa3: {  	v16 =	vshll.u32 v23, $0x2;
	v17 =	vshll.u32 v24, $0x2;
	v19 =	vshll.u32 v25, $0x2  }
0xa4: {  	v16 =	vand.u32 $0x7FFFF600, v16;
	v17 =	vand.u32 $0x7FFFFA00, v17;
	v27 =	vand.u32 $0x7FFFFE00, v19;
	v28 =	vld.idx.msk [tilespmem:v20+s3+$0x0], $0xffff  }
0xa5: {  	v16 =	vor.u32 v8, v16;
	v19 =	vor.u32 v8, v17;
	v27 =	vor.u32 v8, v27  }
.Ltmp6:
0xa6: {  	vm0 =	veq.s32 v11, v4;
	vm1 =	veq.s32 v12, v4;
	v11 =	vmovc v24;
	v12 =	vmovc v25;
	v17 =	vor.u32 s28, v7;
	(pc) =	sbr.rel @p0 .LBB2_6-.Ltmp6, $4  }
0xa7: {  	v18 =	vmax.f32 v14, v18;
	v20 =	vshll.u32 v17, $0x2;
	v22 =	vmax.f32 v13, v22  }
0xa8: {  	v14 =	vsel vm1, v14, v18;
	v20 =	vand.u32 $0x3200, v20;
	v13 =	vsel vm0, v13, v22  }
0xa9: {  	vm1 =	veq.s32 v10, v4;
	v10 =	vmovc v23;
	v22 =	vmax.f32 v15, v26;
	v20 =	vor.u32 v8, v20  }
0xaa: {  	vm0 =	veq.s32 v21, v4;
	v15 =	vsel vm1, v15, v22;
	v21 =	vmax.f32 v9, v28;
	v18 =	vld.idx.msk [tilespmem:v27+s3+$0x0], $0xffff  }
0xab: {  	_ =	sdelay $0x3  }
0xac: {  	v7 =	vld.idx.msk [tilespmem:v19+s3+$0x0], $0xffff  }
0xad: {  	v8 =	vld.idx.msk [tilespmem:v16+s3+$0x0], $0xffff  }
0xae: {  	v61 =	vld.idx.msk [tilespmem:v20+s3+$0x0], $0xffff;
	_ =	sdelay $0x1  }
0xaf: {  	v9 =	vsel vm0, v9, v21;
	vm12 =	veq.s32 v11, v4  }
0xb0: {  	vm1 =	veq.s32 v12, v4;
	vm13 =	veq.s32 v10, v4;
	vm14 =	veq.s32 v17, v4  }
0xb1: {  	vm15 =	veq.s32 v6, v0;
	v62 =	vmax.f32 v14, v18;
	v7 =	vmax.f32 v13, v7  }
0xb2: {  	v11 =	vsel vm1, v14, v62;
	v8 =	vmax.f32 v15, v8;
	v4 =	vmax.f32 v9, v61  }
0xb3: {  	v7 =	vsel vm12, v13, v7;
	v8 =	vsel vm13, v15, v8;
	v4 =	vsel vm14, v9, v4  }
0xb4: {  	v5 =	vsel vm15, $0xFF800000, v5;
	v4 =	vmax.f32 v4, v8;
	v63 =	vmax.f32 v7, v11  }
0xb5: {  	(xrf0) =	vmax.scan.msk.f32 $0xffff, v5;
	v4 =	vmax.f32 v4, v63  }
0xb6: {  	(xrf0) =	vmax.scan.msk.f32 $0xffff, v4;
	_ =	sdelay $0x4  }
0xb7: {  	v4, _, _ =	vpop (xrf0)  }
0xb8: {  	(v2sf) =	vpush v4, $0xF;
	v4, _, _ =	vpop (xrf0)  }
0xb9: {  	(v2sf) =	vpush v4, $0xF;
	_ =	sdelay $0xc  }
.Ltmp7:
0xba: {  	_ = 	snop;
	(pc) =	sbr.rel .LBB2_8-.Ltmp7, $4  }
0xbb: {  	s26 =	spop (v2sf)  }
0xbc: {  	s28 =	spop (v2sf)  }
0xbd: {  	s26 =	smax.f32 s26, s28  }
0xbe: {  	s26 =	ssub.f32 s25, s26  }
.LBB2_9:
.Ltmp8:
0xbf: {  	s23 =	simm.s32 $0x0;
	(pc) =	sbr.rel .LBB2_10-.Ltmp8, $4  }
0xc0: {  	[tilespmem:s23], [sflag:$0x1] =	stream.strided.gather [hbm4b:s7+s14], $0x4000, s17, s14, $0x38;
	[tilespmem:$0x8300] =	vst v63  }
0xc1: {  	_ =	swait.ge [sflag:s18], $0x4000  }
0xc2: {  	[sflag:s18] =	ssyncset.done $0x0  }
0xc3: {  	s24 =	simm.s32 $0x4400;
	[sflag:s18] =	ssyncadd.s32 $0xFFFFC000  }
.LBB2_16:
0xc4: {  	s28 =	sshll.u32 s23, $0x7  }
0xc5: {  	s28 =	sand.u32 $0x3FFFFF80, s28  }
0xc6: {  	s23 =	sadd.s32 $0x1, s23;
	v4 =	vld [tilespmem:s28+$0x8080]  }
0xc7: {  	p0 =	sne.s32 s23, $0x4  }
.Ltmp9:
0xc8: {  	_ = 	snop;
	(pc) =	sbr.rel @!p0 .LBB2_17-.Ltmp9, $4  }
0xc9: {  	_ = 	snop  }
0xca: {  	vm0 =	veq.s32 v0, $0x1  }
0xcb: {  	v4 =	vsel vm0, s26, v4  }
0xcc: {  	s22 =	smax.f32 s22, s25;
	s24 =	sadd.s32 $0x80, s24;
	[tilespmem:s28+$0x8080] =	vst v4  }
.LBB2_10:
0xcd: {  	v13 =	vld [tilespmem:s24+$0x200]  }
0xce: {  	v14 =	vld [tilespmem:s24+$0x210]  }
0xcf: {  	v7 =	vld [tilespmem:s24+$0x220]  }
0xd0: {  	v8 =	vld [tilespmem:s24+$0x230]  }
0xd1: {  	v9 =	vld [tilespmem:s24+$0x240]  }
0xd2: {  	v6 =	vld [tilespmem:s24+$0x250]  }
0xd3: {  	v5 =	vld [tilespmem:s24+$0x260]  }
0xd4: {  	v16 =	vld [tilespmem:s24+$0x0]  }
0xd5: {  	v17 =	vld [tilespmem:s24+$0x10]  }
0xd6: {  	v21 =	vld [tilespmem:s24+$0x20]  }
0xd7: {  	v26 =	vld [tilespmem:s24+$0x30]  }
0xd8: {  	v27 =	vld [tilespmem:s24+$0x40]  }
0xd9: {  	v10 =	vld [tilespmem:s24+$0x50]  }
0xda: {  	v11 =	vld [tilespmem:s24+$0x60]  }
0xdb: {  	v19 =	vld [tilespmem:s24+$0xFFFFFE00]  }
0xdc: {  	v20 =	vld [tilespmem:s24+$0xFFFFFE10]  }
0xdd: {  	v24 =	vld [tilespmem:s24+$0xFFFFFE20]  }
0xde: {  	v25 =	vld [tilespmem:s24+$0xFFFFFE30]  }
0xdf: {  	v28 =	vld [tilespmem:s24+$0xFFFFFE40]  }
0xe0: {  	v18 =	vld [tilespmem:s24+$0xFFFFFC00]  }
0xe1: {  	s25 =	sor.u32 s4, s23;
	v22 =	vld [tilespmem:s24+$0xFFFFFC10]  }
0xe2: {  	v15 =	vld [tilespmem:s24+$0xFFFFFE50];
	v4 =	vmov s25  }
0xe3: {  	v23 =	vld [tilespmem:s24+$0xFFFFFC20]  }
0xe4: {  	v29 =	vld [tilespmem:s24+$0xFFFFFC30]  }
0xe5: {  	v12 =	vimm.f32 $-Inf;
	v30 =	vld [tilespmem:s24+$0xFFFFFC40]  }
0xe6: {  	v31 =	vmax.f32 v12, v18;
	v18 =	vld [tilespmem:s24+$0xFFFFFE60]  }
0xe7: {  	v22 =	vmax.f32 v12, v22;
	v4 =	vld.idx.msk [tilespmem:v4+s12+$0x0], $0xffff;
	v31 =	vmax.f32 v31, v19  }
0xe8: {  	v19 =	vld [tilespmem:s24+$0xFFFFFC50];
	v22 =	vmax.f32 v22, v20;
	v16 =	vmax.f32 v31, v16  }
0xe9: {  	v20 =	vld [tilespmem:s24+$0xFFFFFC60];
	v17 =	vmax.f32 v22, v17;
	v13 =	vmax.f32 v16, v13  }
0xea: {  	v22 =	vld [tilespmem:s24+$0xFFFFFC70];
	v14 =	vmax.f32 v17, v14;
	v16 =	vmax.f32 v12, v23;
	v17 =	vmax.f32 v12, v29  }
0xeb: {  	v29 =	vmax.f32 v12, v30;
	v23 =	vld [tilespmem:s24+$0xFFFFFE70];
	v16 =	vmax.f32 v16, v24;
	v17 =	vmax.f32 v17, v25  }
0xec: {  	v28 =	vmax.f32 v29, v28;
	v24 =	vld [tilespmem:s24+$0x70];
	v25 =	vmax.f32 v16, v21;
	v26 =	vmax.f32 v17, v26  }
0xed: {  	s26 =	sadd.s32 $0x800, s24;
	s25 =	simm.s32 $0x0;
	v27 =	vmax.f32 v28, v27;
	v21 =	vld [tilespmem:s24+$0x270];
	v16 =	vimm.f32 $-Inf;
	v17 =	vimm.f32 $-Inf  }
.LBB2_11:
0xee: {  	v28 =	vld [tilespmem:s26+$0x200];
	v25 =	vmax.f32 v25, v7;
	v26 =	vmax.f32 v26, v8;
	v27 =	vmax.f32 v27, v9  }
0xef: {  	v8 =	vmax.f32 v12, v19;
	v9 =	vmax.f32 v16, v20;
	v29 =	vld [tilespmem:s26+$0x210];
	v12 =	vmax.f32 v17, v22  }
0xf0: {  	v15 =	vmax.f32 v8, v15;
	v9 =	vmax.f32 v9, v18;
	v7 =	vld [tilespmem:s26+$0x220];
	v12 =	vmax.f32 v12, v23  }
0xf1: {  	v10 =	vmax.f32 v15, v10;
	v11 =	vmax.f32 v9, v11;
	v8 =	vld [tilespmem:s26+$0x230];
	v15 =	vmax.f32 v12, v24  }
0xf2: {  	v12 =	vmax.f32 v10, v6;
	v16 =	vmax.f32 v11, v5;
	v9 =	vld [tilespmem:s26+$0x240];
	v17 =	vmax.f32 v15, v21  }
0xf3: {  	v6 =	vld [tilespmem:s26+$0x250]  }
0xf4: {  	v5 =	vld [tilespmem:s26+$0x260]  }
0xf5: {  	v21 =	vld [tilespmem:s26+$0x0]  }
0xf6: {  	v22 =	vld [tilespmem:s26+$0x10]  }
0xf7: {  	v30 =	vld [tilespmem:s26+$0x20]  }
0xf8: {  	v31 =	vld [tilespmem:s26+$0x30]  }
0xf9: {  	v32 =	vld [tilespmem:s26+$0x40]  }
0xfa: {  	v10 =	vld [tilespmem:s26+$0x50]  }
0xfb: {  	v11 =	vld [tilespmem:s26+$0x60]  }
0xfc: {  	v20 =	vld [tilespmem:s26+$0xFFFFFE00]  }
0xfd: {  	v23 =	vld [tilespmem:s26+$0xFFFFFE10]  }
0xfe: {  	v24 =	vld [tilespmem:s26+$0xFFFFFE20]  }
0xff: {  	v33 =	vld [tilespmem:s26+$0xFFFFFE30]  }
0x100: {  	v34 =	vld [tilespmem:s26+$0xFFFFFE40]  }
0x101: {  	v18 =	vld [tilespmem:s26+$0xFFFFFC00]  }
0x102: {  	v19 =	vld [tilespmem:s26+$0xFFFFFC10]  }
0x103: {  	v15 =	vld [tilespmem:s26+$0xFFFFFE50]  }
0x104: {  	v35 =	vld [tilespmem:s26+$0xFFFFFC20]  }
0x105: {  	v36 =	vld [tilespmem:s26+$0xFFFFFC30]  }
0x106: {  	v37 =	vld [tilespmem:s26+$0xFFFFFC40]  }
0x107: {  	s25 =	sadd.s32 $0x20, s25;
	v13 =	vmax.f32 v13, v18;
	v14 =	vmax.f32 v14, v19;
	v18 =	vld [tilespmem:s26+$0xFFFFFE60]  }
0x108: {  	p0 =	slt.u32 s25, $0xE0;
	v13 =	vmax.f32 v13, v20;
	v19 =	vld [tilespmem:s26+$0xFFFFFC50];
	v14 =	vmax.f32 v14, v23  }
.Ltmp10:
0x109: {  	v13 =	vmax.f32 v13, v21;
	v20 =	vld [tilespmem:s26+$0xFFFFFC60];
	v14 =	vmax.f32 v14, v22;
	(pc) =	sbr.rel @p0 .LBB2_11-.Ltmp10, $4  }
0x10a: {  	v13 =	vmax.f32 v13, v28;
	v22 =	vld [tilespmem:s26+$0xFFFFFC70];
	v14 =	vmax.f32 v14, v29  }
0x10b: {  	v21 =	vmax.f32 v25, v35;
	v25 =	vmax.f32 v26, v36;
	v26 =	vmax.f32 v27, v37;
	v23 =	vld [tilespmem:s26+$0xFFFFFE70]  }
0x10c: {  	v21 =	vmax.f32 v21, v24;
	v27 =	vmax.f32 v25, v33;
	v28 =	vmax.f32 v26, v34;
	v24 =	vld [tilespmem:s26+$0x70]  }
0x10d: {  	v25 =	vmax.f32 v21, v30;
	v26 =	vmax.f32 v27, v31;
	v27 =	vmax.f32 v28, v32;
	v21 =	vld [tilespmem:s26+$0x270];
	s26 =	sadd.s32 $0x800, s26  }
0x10e: {  	v7 =	vmax.f32 v25, v7;
	v8 =	vmax.f32 v26, v8;
	v9 =	vmax.f32 v27, v9  }
0x10f: {  	v12 =	vmax.f32 v12, v19;
	v16 =	vmax.f32 v16, v20;
	v61 =	vmax.f32 v13, v14  }
0x110: {  	v63 =	vmov s23;
	v17 =	vmax.f32 v17, v22;
	v12 =	vmax.f32 v12, v15  }
0x111: {  	v59 =	vmax.f32 v16, v18;
	v7 =	vmax.f32 v61, v7;
	v60 =	vmax.f32 v17, v23  }
0x112: {  	v10 =	vmax.f32 v12, v10;
	v11 =	vmax.f32 v59, v11;
	v7 =	vmax.f32 v7, v8  }
0x113: {  	v8 =	vshll.u32 v63, $0x7;
	v62 =	vmax.f32 v60, v24;
	v6 =	vmax.f32 v10, v6  }
0x114: {  	v7 =	vmax.f32 v7, v9;
	v9 =	vshll.u32 v4, $0x2;
	v8 =	vand.u32 $0x180, v8  }
0x115: {  	v10 =	vand.u32 $0x7F, v4;
	v9 =	vand.u32 $0xFFFFFE00, v9;
	v8 =	vbroadcast v8, $0x0  }
0x116: {  	v5 =	vmax.f32 v11, v5;
	v6 =	vmax.f32 v7, v6;
	v7 =	vor.u32 v9, v10  }
0x117: {  	v9 =	vmax.f32 v62, v21;
	v5 =	vmax.f32 v6, v5;
	v6 =	vor.u32 v8, v7  }
0x118: {  	v5 =	vmax.f32 v5, v9  }
0x119: {  	(xrf0) =	vmax.scan.msk.f32 $0xffff, v5;
	_ =	sdelay $0x2  }
0x11a: {  	v6 =	vld.idx.msk [tilespmem:v6+s15+$0x0], $0xffff;
	_ =	sdelay $0x2  }
0x11b: {  	v7, _, _ =	vpop (xrf0)  }
0x11c: {  	(v2sf) =	vpush v7, $0xF  }
0x11d: {  	(v2sf) =	vpush v6, $0x0;
	_ =	sdelay $0xd  }
0x11e: {  	s25 =	spop (v2sf)  }
0x11f: {  	s26 =	spop (v2sf)  }
0x120: {  	p0 =	sge.f32 s26, s25  }
.Ltmp11:
0x121: {  	_ = 	snop;
	(pc) =	sbr.rel @!p0 .LBB2_16-.Ltmp11, $2  }
0x122: {  	_ =	sdelay $0x2  }
0x123: {  	s26 =	simm.f32 $0.0e+00  }
0x124: {  	v6 =	vand.u32 $0xF, v4  }
0x125: {  	s26 =	simm.s32 $0x300;
	v7 =	vor.u32 v2, v6  }
0x126: {  	s28 =	simm.s32 $0x200;
	v13 =	vor.u32 s26, v7  }
0x127: {  	v8 =	vor.u32 v8, v6;
	v14 =	vor.u32 s28, v7;
	v9 =	vshll.u32 v13, $0x2  }
0x128: {  	s29 =	simm.s32 $0x100;
	v8 =	vor.u32 v3, v8;
	v10 =	vshll.u32 v14, $0x2;
	v9 =	vand.u32 $0x7FFFFE00, v9  }
0x129: {  	s30 =	simm.s32 $0x0;
	v15 =	vor.u32 s29, v7;
	v10 =	vand.u32 $0x7FFFFA00, v10;
	v11 =	vor.u32 v8, v9  }
0x12a: {  	v21 =	vor.u32 s30, v7;
	v9 =	vshll.u32 v15, $0x2;
	v10 =	vor.u32 v8, v10  }
0x12b: {  	v12 =	vshll.u32 v21, $0x2;
	v9 =	vand.u32 $0x7FFFF600, v9  }
0x12c: {  	v16 =	vor.u32 v8, v9;
	v9 =	vand.u32 $0x3200, v12  }
0x12d: {  	v17 =	vor.u32 v8, v9  }
0x12e: {  	s31 =	simm.s32 $0x500;
	s30 =	simm.s32 $0x600;
	s29 =	simm.s32 $0x700;
	vm0 =	veq.s32 v14, v4;
	v18 =	vld.idx.msk [tilespmem:v11+s15+$0x0], $0xffff  }
0x12f: {  	v12 =	vor.u32 s29, v7;
	v20 =	vld.idx.msk [tilespmem:v10+s15+$0x0], $0xffff;
	v10 =	vor.u32 s31, v7;
	v11 =	vor.u32 s30, v7  }
0x130: {  	v23 =	vshll.u32 v12, $0x2;
	v19 =	vshll.u32 v10, $0x2;
	v22 =	vshll.u32 v11, $0x2  }
0x131: {  	v24 =	vld.idx.msk [tilespmem:v16+s15+$0x0], $0xffff;
	v16 =	vand.u32 $0x7FFFF600, v19;
	v19 =	vand.u32 $0x7FFFFA00, v22;
	v22 =	vand.u32 $0x7FFFFE00, v23  }
0x132: {  	vm1 =	veq.s32 v13, v4;
	v9 =	vimm.f32 $-Inf;
	s31 =	simm.s32 $0x400;
	v23 =	vld.idx.msk [tilespmem:v17+s15+$0x0], $0xffff;
	v22 =	vor.u32 v8, v22  }
0x133: {  	v16 =	vor.u32 v8, v16;
	v19 =	vor.u32 v8, v19;
	v17 =	vor.u32 s31, v7  }
0x134: {  	v13 =	vshll.u32 v17, $0x2;
	v14 =	vmax.f32 v9, v20;
	v18 =	vmax.f32 v9, v18  }
0x135: {  	v20 =	vand.u32 $0x3200, v13;
	v13 =	vsel vm0, v9, v14;
	v14 =	vsel vm1, v9, v18  }
0x136: {  	v20 =	vor.u32 v8, v20;
	vm1 =	veq.s32 v15, v4;
	v15 =	vmax.f32 v9, v24  }
0x137: {  	s26 =	simm.s32 $0x800;
	vm0 =	veq.s32 v21, v4;
	v18 =	vld.idx.msk [tilespmem:v22+s15+$0x0], $0xffff;
	v21 =	vmax.f32 v9, v23;
	v15 =	vsel vm1, v9, v15  }
.LBB2_14:
0x138: {  	s28 =	sadd.s32 $0x100, s26;
	s29 =	sadd.s32 $0x200, s26;
	s30 =	sadd.s32 $0x300, s26;
	v22 =	vld.idx.msk [tilespmem:v19+s15+$0x0], $0xffff;
	v9 =	vsel vm0, v9, v21;
	v21 =	vmov v17  }
0x139: {  	p0 =	sne.s32 s26, $0xC00;
	v23 =	vor.u32 s28, v7;
	v24 =	vor.u32 s29, v7;
	v25 =	vor.u32 s30, v7;
	v26 =	vld.idx.msk [tilespmem:v16+s15+$0x0], $0xffff;
	s28 =	smov.u32 s26;
	s26 =	sadd.s32 $0x400, s26  }
0x13a: {  	v16 =	vshll.u32 v23, $0x2;
	v17 =	vshll.u32 v24, $0x2;
	v19 =	vshll.u32 v25, $0x2  }
0x13b: {  	v16 =	vand.u32 $0x7FFFF600, v16;
	v17 =	vand.u32 $0x7FFFFA00, v17;
	v27 =	vand.u32 $0x7FFFFE00, v19;
	v28 =	vld.idx.msk [tilespmem:v20+s15+$0x0], $0xffff  }
0x13c: {  	v16 =	vor.u32 v8, v16;
	v19 =	vor.u32 v8, v17;
	v27 =	vor.u32 v8, v27  }
.Ltmp12:
0x13d: {  	vm0 =	veq.s32 v11, v4;
	vm1 =	veq.s32 v12, v4;
	v11 =	vmovc v24;
	v12 =	vmovc v25;
	v17 =	vor.u32 s28, v7;
	(pc) =	sbr.rel @p0 .LBB2_14-.Ltmp12, $4  }
0x13e: {  	v18 =	vmax.f32 v14, v18;
	v20 =	vshll.u32 v17, $0x2;
	v22 =	vmax.f32 v13, v22  }
0x13f: {  	v14 =	vsel vm1, v14, v18;
	v20 =	vand.u32 $0x3200, v20;
	v13 =	vsel vm0, v13, v22  }
0x140: {  	vm1 =	veq.s32 v10, v4;
	v10 =	vmovc v23;
	v22 =	vmax.f32 v15, v26;
	v20 =	vor.u32 v8, v20  }
0x141: {  	vm0 =	veq.s32 v21, v4;
	v15 =	vsel vm1, v15, v22;
	v21 =	vmax.f32 v9, v28;
	v18 =	vld.idx.msk [tilespmem:v27+s15+$0x0], $0xffff  }
0x142: {  	_ =	sdelay $0x3  }
0x143: {  	v7 =	vld.idx.msk [tilespmem:v19+s15+$0x0], $0xffff  }
0x144: {  	v8 =	vld.idx.msk [tilespmem:v16+s15+$0x0], $0xffff  }
0x145: {  	v61 =	vld.idx.msk [tilespmem:v20+s15+$0x0], $0xffff;
	_ =	sdelay $0x1  }
0x146: {  	v9 =	vsel vm0, v9, v21;
	vm12 =	veq.s32 v11, v4  }
0x147: {  	vm1 =	veq.s32 v12, v4;
	vm13 =	veq.s32 v10, v4;
	vm14 =	veq.s32 v17, v4  }
0x148: {  	vm15 =	veq.s32 v6, v0;
	v62 =	vmax.f32 v14, v18;
	v7 =	vmax.f32 v13, v7  }
0x149: {  	v11 =	vsel vm1, v14, v62;
	v8 =	vmax.f32 v15, v8;
	v4 =	vmax.f32 v9, v61  }
0x14a: {  	v7 =	vsel vm12, v13, v7;
	v8 =	vsel vm13, v15, v8;
	v4 =	vsel vm14, v9, v4  }
0x14b: {  	v5 =	vsel vm15, $0xFF800000, v5;
	v4 =	vmax.f32 v4, v8;
	v63 =	vmax.f32 v7, v11  }
0x14c: {  	(xrf0) =	vmax.scan.msk.f32 $0xffff, v5;
	v4 =	vmax.f32 v4, v63  }
0x14d: {  	(xrf0) =	vmax.scan.msk.f32 $0xffff, v4;
	_ =	sdelay $0x4  }
0x14e: {  	v4, _, _ =	vpop (xrf0)  }
0x14f: {  	(v2sf) =	vpush v4, $0xF;
	v4, _, _ =	vpop (xrf0)  }
0x150: {  	(v2sf) =	vpush v4, $0xF;
	_ =	sdelay $0xc  }
.Ltmp13:
0x151: {  	_ = 	snop;
	(pc) =	sbr.rel .LBB2_16-.Ltmp13, $4  }
0x152: {  	s26 =	spop (v2sf)  }
0x153: {  	s28 =	spop (v2sf)  }
0x154: {  	s26 =	smax.f32 s26, s28  }
0x155: {  	s26 =	ssub.f32 s25, s26  }
.LBB2_17:
.Ltmp14:
0x156: {  	s23 =	simm.s32 $0x400;
	(pc) =	sbr.rel .LBB2_18-.Ltmp14, $4  }
0x157: {  	[tilespmem:s15], [sflag:$0x2] =	stream.strided.gather [hbm4b:s8+s14], $0x4000, s23, s14, $0x38;
	[tilespmem:$0x8300] =	vst v63  }
0x158: {  	_ =	swait.ge [sflag:s16], $0x4000  }
0x159: {  	[sflag:s16] =	ssyncset.done $0x0  }
0x15a: {  	s24 =	simm.s32 $0x0;
	[sflag:s16] =	ssyncadd.s32 $0xFFFFC000  }
.LBB2_24:
0x15b: {  	s28 =	sshll.u32 s24, $0x7  }
0x15c: {  	s28 =	sand.u32 $0x3FFFFF80, s28  }
0x15d: {  	s24 =	sadd.s32 $0x1, s24;
	v4 =	vld [tilespmem:s28+$0x8080]  }
0x15e: {  	p0 =	sne.s32 s24, $0x4  }
.Ltmp15:
0x15f: {  	_ = 	snop;
	(pc) =	sbr.rel @!p0 .LBB2_25-.Ltmp15, $4  }
0x160: {  	_ = 	snop  }
0x161: {  	vm0 =	veq.s32 v0, $0x2  }
0x162: {  	v4 =	vsel vm0, s26, v4  }
0x163: {  	s22 =	smax.f32 s22, s25;
	s23 =	sadd.s32 $0x80, s23;
	[tilespmem:s28+$0x8080] =	vst v4  }
.LBB2_18:
0x164: {  	v13 =	vld [tilespmem:s23+$0x200]  }
0x165: {  	v14 =	vld [tilespmem:s23+$0x210]  }
0x166: {  	v7 =	vld [tilespmem:s23+$0x220]  }
0x167: {  	v8 =	vld [tilespmem:s23+$0x230]  }
0x168: {  	v9 =	vld [tilespmem:s23+$0x240]  }
0x169: {  	v6 =	vld [tilespmem:s23+$0x250]  }
0x16a: {  	v5 =	vld [tilespmem:s23+$0x260]  }
0x16b: {  	v16 =	vld [tilespmem:s23+$0x0]  }
0x16c: {  	v17 =	vld [tilespmem:s23+$0x10]  }
0x16d: {  	v21 =	vld [tilespmem:s23+$0x20]  }
0x16e: {  	v26 =	vld [tilespmem:s23+$0x30]  }
0x16f: {  	v27 =	vld [tilespmem:s23+$0x40]  }
0x170: {  	v10 =	vld [tilespmem:s23+$0x50]  }
0x171: {  	v11 =	vld [tilespmem:s23+$0x60]  }
0x172: {  	v19 =	vld [tilespmem:s23+$0xFFFFFE00]  }
0x173: {  	v20 =	vld [tilespmem:s23+$0xFFFFFE10]  }
0x174: {  	v24 =	vld [tilespmem:s23+$0xFFFFFE20]  }
0x175: {  	v25 =	vld [tilespmem:s23+$0xFFFFFE30]  }
0x176: {  	v28 =	vld [tilespmem:s23+$0xFFFFFE40]  }
0x177: {  	v18 =	vld [tilespmem:s23+$0xFFFFFC00]  }
0x178: {  	s25 =	sor.u32 s4, s24;
	v22 =	vld [tilespmem:s23+$0xFFFFFC10]  }
0x179: {  	v15 =	vld [tilespmem:s23+$0xFFFFFE50];
	v4 =	vmov s25  }
0x17a: {  	v23 =	vld [tilespmem:s23+$0xFFFFFC20]  }
0x17b: {  	v29 =	vld [tilespmem:s23+$0xFFFFFC30]  }
0x17c: {  	v12 =	vimm.f32 $-Inf;
	v30 =	vld [tilespmem:s23+$0xFFFFFC40]  }
0x17d: {  	v31 =	vmax.f32 v12, v18;
	v18 =	vld [tilespmem:s23+$0xFFFFFE60]  }
0x17e: {  	v22 =	vmax.f32 v12, v22;
	v4 =	vld.idx.msk [tilespmem:v4+s12+$0x0], $0xffff;
	v31 =	vmax.f32 v31, v19  }
0x17f: {  	v19 =	vld [tilespmem:s23+$0xFFFFFC50];
	v22 =	vmax.f32 v22, v20;
	v16 =	vmax.f32 v31, v16  }
0x180: {  	v20 =	vld [tilespmem:s23+$0xFFFFFC60];
	v17 =	vmax.f32 v22, v17;
	v13 =	vmax.f32 v16, v13  }
0x181: {  	v22 =	vld [tilespmem:s23+$0xFFFFFC70];
	v14 =	vmax.f32 v17, v14;
	v16 =	vmax.f32 v12, v23;
	v17 =	vmax.f32 v12, v29  }
0x182: {  	v29 =	vmax.f32 v12, v30;
	v23 =	vld [tilespmem:s23+$0xFFFFFE70];
	v16 =	vmax.f32 v16, v24;
	v17 =	vmax.f32 v17, v25  }
0x183: {  	v28 =	vmax.f32 v29, v28;
	v24 =	vld [tilespmem:s23+$0x70];
	v25 =	vmax.f32 v16, v21;
	v26 =	vmax.f32 v17, v26  }
0x184: {  	s26 =	sadd.s32 $0x800, s23;
	s25 =	simm.s32 $0x0;
	v27 =	vmax.f32 v28, v27;
	v21 =	vld [tilespmem:s23+$0x270];
	v16 =	vimm.f32 $-Inf;
	v17 =	vimm.f32 $-Inf  }
.LBB2_19:
0x185: {  	v28 =	vld [tilespmem:s26+$0x200];
	v25 =	vmax.f32 v25, v7;
	v26 =	vmax.f32 v26, v8;
	v27 =	vmax.f32 v27, v9  }
0x186: {  	v8 =	vmax.f32 v12, v19;
	v9 =	vmax.f32 v16, v20;
	v29 =	vld [tilespmem:s26+$0x210];
	v12 =	vmax.f32 v17, v22  }
0x187: {  	v15 =	vmax.f32 v8, v15;
	v9 =	vmax.f32 v9, v18;
	v7 =	vld [tilespmem:s26+$0x220];
	v12 =	vmax.f32 v12, v23  }
0x188: {  	v10 =	vmax.f32 v15, v10;
	v11 =	vmax.f32 v9, v11;
	v8 =	vld [tilespmem:s26+$0x230];
	v15 =	vmax.f32 v12, v24  }
0x189: {  	v12 =	vmax.f32 v10, v6;
	v16 =	vmax.f32 v11, v5;
	v9 =	vld [tilespmem:s26+$0x240];
	v17 =	vmax.f32 v15, v21  }
0x18a: {  	v6 =	vld [tilespmem:s26+$0x250]  }
0x18b: {  	v5 =	vld [tilespmem:s26+$0x260]  }
0x18c: {  	v21 =	vld [tilespmem:s26+$0x0]  }
0x18d: {  	v22 =	vld [tilespmem:s26+$0x10]  }
0x18e: {  	v30 =	vld [tilespmem:s26+$0x20]  }
0x18f: {  	v31 =	vld [tilespmem:s26+$0x30]  }
0x190: {  	v32 =	vld [tilespmem:s26+$0x40]  }
0x191: {  	v10 =	vld [tilespmem:s26+$0x50]  }
0x192: {  	v11 =	vld [tilespmem:s26+$0x60]  }
0x193: {  	v20 =	vld [tilespmem:s26+$0xFFFFFE00]  }
0x194: {  	v23 =	vld [tilespmem:s26+$0xFFFFFE10]  }
0x195: {  	v24 =	vld [tilespmem:s26+$0xFFFFFE20]  }
0x196: {  	v33 =	vld [tilespmem:s26+$0xFFFFFE30]  }
0x197: {  	v34 =	vld [tilespmem:s26+$0xFFFFFE40]  }
0x198: {  	v18 =	vld [tilespmem:s26+$0xFFFFFC00]  }
0x199: {  	v19 =	vld [tilespmem:s26+$0xFFFFFC10]  }
0x19a: {  	v15 =	vld [tilespmem:s26+$0xFFFFFE50]  }
0x19b: {  	v35 =	vld [tilespmem:s26+$0xFFFFFC20]  }
0x19c: {  	v36 =	vld [tilespmem:s26+$0xFFFFFC30]  }
0x19d: {  	v37 =	vld [tilespmem:s26+$0xFFFFFC40]  }
0x19e: {  	s25 =	sadd.s32 $0x20, s25;
	v13 =	vmax.f32 v13, v18;
	v14 =	vmax.f32 v14, v19;
	v18 =	vld [tilespmem:s26+$0xFFFFFE60]  }
0x19f: {  	p0 =	slt.u32 s25, $0xE0;
	v13 =	vmax.f32 v13, v20;
	v19 =	vld [tilespmem:s26+$0xFFFFFC50];
	v14 =	vmax.f32 v14, v23  }
.Ltmp16:
0x1a0: {  	v13 =	vmax.f32 v13, v21;
	v20 =	vld [tilespmem:s26+$0xFFFFFC60];
	v14 =	vmax.f32 v14, v22;
	(pc) =	sbr.rel @p0 .LBB2_19-.Ltmp16, $4  }
0x1a1: {  	v13 =	vmax.f32 v13, v28;
	v22 =	vld [tilespmem:s26+$0xFFFFFC70];
	v14 =	vmax.f32 v14, v29  }
0x1a2: {  	v21 =	vmax.f32 v25, v35;
	v25 =	vmax.f32 v26, v36;
	v26 =	vmax.f32 v27, v37;
	v23 =	vld [tilespmem:s26+$0xFFFFFE70]  }
0x1a3: {  	v21 =	vmax.f32 v21, v24;
	v27 =	vmax.f32 v25, v33;
	v28 =	vmax.f32 v26, v34;
	v24 =	vld [tilespmem:s26+$0x70]  }
0x1a4: {  	v25 =	vmax.f32 v21, v30;
	v26 =	vmax.f32 v27, v31;
	v27 =	vmax.f32 v28, v32;
	v21 =	vld [tilespmem:s26+$0x270];
	s26 =	sadd.s32 $0x800, s26  }
0x1a5: {  	v7 =	vmax.f32 v25, v7;
	v8 =	vmax.f32 v26, v8;
	v9 =	vmax.f32 v27, v9  }
0x1a6: {  	v12 =	vmax.f32 v12, v19;
	v16 =	vmax.f32 v16, v20;
	v61 =	vmax.f32 v13, v14  }
0x1a7: {  	v63 =	vmov s24;
	v17 =	vmax.f32 v17, v22;
	v12 =	vmax.f32 v12, v15  }
0x1a8: {  	v59 =	vmax.f32 v16, v18;
	v7 =	vmax.f32 v61, v7;
	v60 =	vmax.f32 v17, v23  }
0x1a9: {  	v10 =	vmax.f32 v12, v10;
	v11 =	vmax.f32 v59, v11;
	v7 =	vmax.f32 v7, v8  }
0x1aa: {  	v8 =	vshll.u32 v63, $0x7;
	v62 =	vmax.f32 v60, v24;
	v6 =	vmax.f32 v10, v6  }
0x1ab: {  	v7 =	vmax.f32 v7, v9;
	v9 =	vshll.u32 v4, $0x2;
	v8 =	vand.u32 $0x180, v8  }
0x1ac: {  	v10 =	vand.u32 $0x7F, v4;
	v9 =	vand.u32 $0xFFFFFE00, v9;
	v8 =	vbroadcast v8, $0x0  }
0x1ad: {  	v5 =	vmax.f32 v11, v5;
	v6 =	vmax.f32 v7, v6;
	v7 =	vor.u32 v9, v10  }
0x1ae: {  	v9 =	vmax.f32 v62, v21;
	v5 =	vmax.f32 v6, v5;
	v6 =	vor.u32 v8, v7  }
0x1af: {  	v5 =	vmax.f32 v5, v9  }
0x1b0: {  	(xrf0) =	vmax.scan.msk.f32 $0xffff, v5;
	_ =	sdelay $0x2  }
0x1b1: {  	v6 =	vld.idx.msk [tilespmem:v6+s3+$0x0], $0xffff;
	_ =	sdelay $0x2  }
0x1b2: {  	v7, _, _ =	vpop (xrf0)  }
0x1b3: {  	(v2sf) =	vpush v7, $0xF  }
0x1b4: {  	(v2sf) =	vpush v6, $0x0;
	_ =	sdelay $0xd  }
0x1b5: {  	s25 =	spop (v2sf)  }
0x1b6: {  	s26 =	spop (v2sf)  }
0x1b7: {  	p0 =	sge.f32 s26, s25  }
.Ltmp17:
0x1b8: {  	_ = 	snop;
	(pc) =	sbr.rel @!p0 .LBB2_24-.Ltmp17, $2  }
0x1b9: {  	_ =	sdelay $0x2  }
0x1ba: {  	s26 =	simm.f32 $0.0e+00  }
0x1bb: {  	v6 =	vand.u32 $0xF, v4  }
0x1bc: {  	s26 =	simm.s32 $0x300;
	v7 =	vor.u32 v2, v6  }
0x1bd: {  	s28 =	simm.s32 $0x200;
	v13 =	vor.u32 s26, v7  }
0x1be: {  	v8 =	vor.u32 v8, v6;
	v14 =	vor.u32 s28, v7;
	v9 =	vshll.u32 v13, $0x2  }
0x1bf: {  	s29 =	simm.s32 $0x100;
	v8 =	vor.u32 v3, v8;
	v10 =	vshll.u32 v14, $0x2;
	v9 =	vand.u32 $0x7FFFFE00, v9  }
0x1c0: {  	s30 =	simm.s32 $0x0;
	v15 =	vor.u32 s29, v7;
	v10 =	vand.u32 $0x7FFFFA00, v10;
	v11 =	vor.u32 v8, v9  }
0x1c1: {  	v21 =	vor.u32 s30, v7;
	v9 =	vshll.u32 v15, $0x2;
	v10 =	vor.u32 v8, v10  }
0x1c2: {  	v12 =	vshll.u32 v21, $0x2;
	v9 =	vand.u32 $0x7FFFF600, v9  }
0x1c3: {  	v16 =	vor.u32 v8, v9;
	v9 =	vand.u32 $0x3200, v12  }
0x1c4: {  	v17 =	vor.u32 v8, v9  }
0x1c5: {  	s31 =	simm.s32 $0x500;
	s30 =	simm.s32 $0x600;
	s29 =	simm.s32 $0x700;
	vm0 =	veq.s32 v14, v4;
	v18 =	vld.idx.msk [tilespmem:v11+s3+$0x0], $0xffff  }
0x1c6: {  	v12 =	vor.u32 s29, v7;
	v20 =	vld.idx.msk [tilespmem:v10+s3+$0x0], $0xffff;
	v10 =	vor.u32 s31, v7;
	v11 =	vor.u32 s30, v7  }
0x1c7: {  	v23 =	vshll.u32 v12, $0x2;
	v19 =	vshll.u32 v10, $0x2;
	v22 =	vshll.u32 v11, $0x2  }
0x1c8: {  	v24 =	vld.idx.msk [tilespmem:v16+s3+$0x0], $0xffff;
	v16 =	vand.u32 $0x7FFFF600, v19;
	v19 =	vand.u32 $0x7FFFFA00, v22;
	v22 =	vand.u32 $0x7FFFFE00, v23  }
0x1c9: {  	vm1 =	veq.s32 v13, v4;
	v9 =	vimm.f32 $-Inf;
	s31 =	simm.s32 $0x400;
	v23 =	vld.idx.msk [tilespmem:v17+s3+$0x0], $0xffff;
	v22 =	vor.u32 v8, v22  }
0x1ca: {  	v16 =	vor.u32 v8, v16;
	v19 =	vor.u32 v8, v19;
	v17 =	vor.u32 s31, v7  }
0x1cb: {  	v13 =	vshll.u32 v17, $0x2;
	v14 =	vmax.f32 v9, v20;
	v18 =	vmax.f32 v9, v18  }
0x1cc: {  	v20 =	vand.u32 $0x3200, v13;
	v13 =	vsel vm0, v9, v14;
	v14 =	vsel vm1, v9, v18  }
0x1cd: {  	v20 =	vor.u32 v8, v20;
	vm1 =	veq.s32 v15, v4;
	v15 =	vmax.f32 v9, v24  }
0x1ce: {  	s26 =	simm.s32 $0x800;
	vm0 =	veq.s32 v21, v4;
	v18 =	vld.idx.msk [tilespmem:v22+s3+$0x0], $0xffff;
	v21 =	vmax.f32 v9, v23;
	v15 =	vsel vm1, v9, v15  }
.LBB2_22:
0x1cf: {  	s28 =	sadd.s32 $0x100, s26;
	s29 =	sadd.s32 $0x200, s26;
	s30 =	sadd.s32 $0x300, s26;
	v22 =	vld.idx.msk [tilespmem:v19+s3+$0x0], $0xffff;
	v9 =	vsel vm0, v9, v21;
	v21 =	vmov v17  }
0x1d0: {  	p0 =	sne.s32 s26, $0xC00;
	v23 =	vor.u32 s28, v7;
	v24 =	vor.u32 s29, v7;
	v25 =	vor.u32 s30, v7;
	v26 =	vld.idx.msk [tilespmem:v16+s3+$0x0], $0xffff;
	s28 =	smov.u32 s26;
	s26 =	sadd.s32 $0x400, s26  }
0x1d1: {  	v16 =	vshll.u32 v23, $0x2;
	v17 =	vshll.u32 v24, $0x2;
	v19 =	vshll.u32 v25, $0x2  }
0x1d2: {  	v16 =	vand.u32 $0x7FFFF600, v16;
	v17 =	vand.u32 $0x7FFFFA00, v17;
	v27 =	vand.u32 $0x7FFFFE00, v19;
	v28 =	vld.idx.msk [tilespmem:v20+s3+$0x0], $0xffff  }
0x1d3: {  	v16 =	vor.u32 v8, v16;
	v19 =	vor.u32 v8, v17;
	v27 =	vor.u32 v8, v27  }
.Ltmp18:
0x1d4: {  	vm0 =	veq.s32 v11, v4;
	vm1 =	veq.s32 v12, v4;
	v11 =	vmovc v24;
	v12 =	vmovc v25;
	v17 =	vor.u32 s28, v7;
	(pc) =	sbr.rel @p0 .LBB2_22-.Ltmp18, $4  }
0x1d5: {  	v18 =	vmax.f32 v14, v18;
	v20 =	vshll.u32 v17, $0x2;
	v22 =	vmax.f32 v13, v22  }
0x1d6: {  	v14 =	vsel vm1, v14, v18;
	v20 =	vand.u32 $0x3200, v20;
	v13 =	vsel vm0, v13, v22  }
0x1d7: {  	vm1 =	veq.s32 v10, v4;
	v10 =	vmovc v23;
	v22 =	vmax.f32 v15, v26;
	v20 =	vor.u32 v8, v20  }
0x1d8: {  	vm0 =	veq.s32 v21, v4;
	v15 =	vsel vm1, v15, v22;
	v21 =	vmax.f32 v9, v28;
	v18 =	vld.idx.msk [tilespmem:v27+s3+$0x0], $0xffff  }
0x1d9: {  	_ =	sdelay $0x3  }
0x1da: {  	v7 =	vld.idx.msk [tilespmem:v19+s3+$0x0], $0xffff  }
0x1db: {  	v8 =	vld.idx.msk [tilespmem:v16+s3+$0x0], $0xffff  }
0x1dc: {  	v61 =	vld.idx.msk [tilespmem:v20+s3+$0x0], $0xffff;
	_ =	sdelay $0x1  }
0x1dd: {  	v9 =	vsel vm0, v9, v21;
	vm12 =	veq.s32 v11, v4  }
0x1de: {  	vm1 =	veq.s32 v12, v4;
	vm13 =	veq.s32 v10, v4;
	vm14 =	veq.s32 v17, v4  }
0x1df: {  	vm15 =	veq.s32 v6, v0;
	v62 =	vmax.f32 v14, v18;
	v7 =	vmax.f32 v13, v7  }
0x1e0: {  	v11 =	vsel vm1, v14, v62;
	v8 =	vmax.f32 v15, v8;
	v4 =	vmax.f32 v9, v61  }
0x1e1: {  	v7 =	vsel vm12, v13, v7;
	v8 =	vsel vm13, v15, v8;
	v4 =	vsel vm14, v9, v4  }
0x1e2: {  	v5 =	vsel vm15, $0xFF800000, v5;
	v4 =	vmax.f32 v4, v8;
	v63 =	vmax.f32 v7, v11  }
0x1e3: {  	(xrf0) =	vmax.scan.msk.f32 $0xffff, v5;
	v4 =	vmax.f32 v4, v63  }
0x1e4: {  	(xrf0) =	vmax.scan.msk.f32 $0xffff, v4;
	_ =	sdelay $0x4  }
0x1e5: {  	v4, _, _ =	vpop (xrf0)  }
0x1e6: {  	(v2sf) =	vpush v4, $0xF;
	v4, _, _ =	vpop (xrf0)  }
0x1e7: {  	(v2sf) =	vpush v4, $0xF;
	_ =	sdelay $0xc  }
.Ltmp19:
0x1e8: {  	_ = 	snop;
	(pc) =	sbr.rel .LBB2_24-.Ltmp19, $4  }
0x1e9: {  	s26 =	spop (v2sf)  }
0x1ea: {  	s28 =	spop (v2sf)  }
0x1eb: {  	s26 =	smax.f32 s26, s28  }
0x1ec: {  	s26 =	ssub.f32 s25, s26  }
.LBB2_25:
.Ltmp20:
0x1ed: {  	(pc) =	sbr.rel .LBB2_26-.Ltmp20, $4  }
0x1ee: {  	_ = 	snop  }
0x1ef: {  	_ =	swait.ge [sflag:s18], $0x4000  }
0x1f0: {  	[sflag:s18] =	ssyncset.done $0x0  }
0x1f1: {  	s23 =	simm.s32 $0x0;
	s24 =	simm.s32 $0x4400;
	[sflag:s18] =	ssyncadd.s32 $0xFFFFC000  }
.LBB2_32:
0x1f2: {  	s28 =	sshll.u32 s23, $0x7  }
0x1f3: {  	s28 =	sand.u32 $0x3FFFFF80, s28  }
0x1f4: {  	s23 =	sadd.s32 $0x1, s23;
	v4 =	vld [tilespmem:s28+$0x8080]  }
0x1f5: {  	p0 =	sne.s32 s23, $0x4  }
.Ltmp21:
0x1f6: {  	_ = 	snop;
	(pc) =	sbr.rel @!p0 .LBB2_33-.Ltmp21, $4  }
0x1f7: {  	_ = 	snop  }
0x1f8: {  	vm0 =	veq.s32 v0, $0x3  }
0x1f9: {  	v4 =	vsel vm0, s26, v4  }
0x1fa: {  	s22 =	smax.f32 s22, s25;
	s24 =	sadd.s32 $0x80, s24;
	[tilespmem:s28+$0x8080] =	vst v4  }
.LBB2_26:
0x1fb: {  	v13 =	vld [tilespmem:s24+$0x200]  }
0x1fc: {  	v14 =	vld [tilespmem:s24+$0x210]  }
0x1fd: {  	v7 =	vld [tilespmem:s24+$0x220]  }
0x1fe: {  	v8 =	vld [tilespmem:s24+$0x230]  }
0x1ff: {  	v9 =	vld [tilespmem:s24+$0x240]  }
0x200: {  	v6 =	vld [tilespmem:s24+$0x250]  }
0x201: {  	v5 =	vld [tilespmem:s24+$0x260]  }
0x202: {  	v16 =	vld [tilespmem:s24+$0x0]  }
0x203: {  	v17 =	vld [tilespmem:s24+$0x10]  }
0x204: {  	v21 =	vld [tilespmem:s24+$0x20]  }
0x205: {  	v26 =	vld [tilespmem:s24+$0x30]  }
0x206: {  	v27 =	vld [tilespmem:s24+$0x40]  }
0x207: {  	v10 =	vld [tilespmem:s24+$0x50]  }
0x208: {  	v11 =	vld [tilespmem:s24+$0x60]  }
0x209: {  	v19 =	vld [tilespmem:s24+$0xFFFFFE00]  }
0x20a: {  	v20 =	vld [tilespmem:s24+$0xFFFFFE10]  }
0x20b: {  	v24 =	vld [tilespmem:s24+$0xFFFFFE20]  }
0x20c: {  	v25 =	vld [tilespmem:s24+$0xFFFFFE30]  }
0x20d: {  	v28 =	vld [tilespmem:s24+$0xFFFFFE40]  }
0x20e: {  	v18 =	vld [tilespmem:s24+$0xFFFFFC00]  }
0x20f: {  	s25 =	sor.u32 s4, s23;
	v22 =	vld [tilespmem:s24+$0xFFFFFC10]  }
0x210: {  	v15 =	vld [tilespmem:s24+$0xFFFFFE50];
	v4 =	vmov s25  }
0x211: {  	v23 =	vld [tilespmem:s24+$0xFFFFFC20]  }
0x212: {  	v29 =	vld [tilespmem:s24+$0xFFFFFC30]  }
0x213: {  	v12 =	vimm.f32 $-Inf;
	v30 =	vld [tilespmem:s24+$0xFFFFFC40]  }
0x214: {  	v31 =	vmax.f32 v12, v18;
	v18 =	vld [tilespmem:s24+$0xFFFFFE60]  }
0x215: {  	v22 =	vmax.f32 v12, v22;
	v4 =	vld.idx.msk [tilespmem:v4+s12+$0x0], $0xffff;
	v31 =	vmax.f32 v31, v19  }
0x216: {  	v19 =	vld [tilespmem:s24+$0xFFFFFC50];
	v22 =	vmax.f32 v22, v20;
	v16 =	vmax.f32 v31, v16  }
0x217: {  	v20 =	vld [tilespmem:s24+$0xFFFFFC60];
	v17 =	vmax.f32 v22, v17;
	v13 =	vmax.f32 v16, v13  }
0x218: {  	v22 =	vld [tilespmem:s24+$0xFFFFFC70];
	v14 =	vmax.f32 v17, v14;
	v16 =	vmax.f32 v12, v23;
	v17 =	vmax.f32 v12, v29  }
0x219: {  	v29 =	vmax.f32 v12, v30;
	v23 =	vld [tilespmem:s24+$0xFFFFFE70];
	v16 =	vmax.f32 v16, v24;
	v17 =	vmax.f32 v17, v25  }
0x21a: {  	v28 =	vmax.f32 v29, v28;
	v24 =	vld [tilespmem:s24+$0x70];
	v25 =	vmax.f32 v16, v21;
	v26 =	vmax.f32 v17, v26  }
0x21b: {  	s26 =	sadd.s32 $0x800, s24;
	s25 =	simm.s32 $0x0;
	v27 =	vmax.f32 v28, v27;
	v21 =	vld [tilespmem:s24+$0x270];
	v16 =	vimm.f32 $-Inf;
	v17 =	vimm.f32 $-Inf  }
.LBB2_27:
0x21c: {  	v28 =	vld [tilespmem:s26+$0x200];
	v25 =	vmax.f32 v25, v7;
	v26 =	vmax.f32 v26, v8;
	v27 =	vmax.f32 v27, v9  }
0x21d: {  	v8 =	vmax.f32 v12, v19;
	v9 =	vmax.f32 v16, v20;
	v29 =	vld [tilespmem:s26+$0x210];
	v12 =	vmax.f32 v17, v22  }
0x21e: {  	v15 =	vmax.f32 v8, v15;
	v9 =	vmax.f32 v9, v18;
	v7 =	vld [tilespmem:s26+$0x220];
	v12 =	vmax.f32 v12, v23  }
0x21f: {  	v10 =	vmax.f32 v15, v10;
	v11 =	vmax.f32 v9, v11;
	v8 =	vld [tilespmem:s26+$0x230];
	v15 =	vmax.f32 v12, v24  }
0x220: {  	v12 =	vmax.f32 v10, v6;
	v16 =	vmax.f32 v11, v5;
	v9 =	vld [tilespmem:s26+$0x240];
	v17 =	vmax.f32 v15, v21  }
0x221: {  	v6 =	vld [tilespmem:s26+$0x250]  }
0x222: {  	v5 =	vld [tilespmem:s26+$0x260]  }
0x223: {  	v21 =	vld [tilespmem:s26+$0x0]  }
0x224: {  	v22 =	vld [tilespmem:s26+$0x10]  }
0x225: {  	v30 =	vld [tilespmem:s26+$0x20]  }
0x226: {  	v31 =	vld [tilespmem:s26+$0x30]  }
0x227: {  	v32 =	vld [tilespmem:s26+$0x40]  }
0x228: {  	v10 =	vld [tilespmem:s26+$0x50]  }
0x229: {  	v11 =	vld [tilespmem:s26+$0x60]  }
0x22a: {  	v20 =	vld [tilespmem:s26+$0xFFFFFE00]  }
0x22b: {  	v23 =	vld [tilespmem:s26+$0xFFFFFE10]  }
0x22c: {  	v24 =	vld [tilespmem:s26+$0xFFFFFE20]  }
0x22d: {  	v33 =	vld [tilespmem:s26+$0xFFFFFE30]  }
0x22e: {  	v34 =	vld [tilespmem:s26+$0xFFFFFE40]  }
0x22f: {  	v18 =	vld [tilespmem:s26+$0xFFFFFC00]  }
0x230: {  	v19 =	vld [tilespmem:s26+$0xFFFFFC10]  }
0x231: {  	v15 =	vld [tilespmem:s26+$0xFFFFFE50]  }
0x232: {  	v35 =	vld [tilespmem:s26+$0xFFFFFC20]  }
0x233: {  	v36 =	vld [tilespmem:s26+$0xFFFFFC30]  }
0x234: {  	v37 =	vld [tilespmem:s26+$0xFFFFFC40]  }
0x235: {  	s25 =	sadd.s32 $0x20, s25;
	v13 =	vmax.f32 v13, v18;
	v14 =	vmax.f32 v14, v19;
	v18 =	vld [tilespmem:s26+$0xFFFFFE60]  }
0x236: {  	p0 =	slt.u32 s25, $0xE0;
	v13 =	vmax.f32 v13, v20;
	v19 =	vld [tilespmem:s26+$0xFFFFFC50];
	v14 =	vmax.f32 v14, v23  }
.Ltmp22:
0x237: {  	v13 =	vmax.f32 v13, v21;
	v20 =	vld [tilespmem:s26+$0xFFFFFC60];
	v14 =	vmax.f32 v14, v22;
	(pc) =	sbr.rel @p0 .LBB2_27-.Ltmp22, $4  }
0x238: {  	v13 =	vmax.f32 v13, v28;
	v22 =	vld [tilespmem:s26+$0xFFFFFC70];
	v14 =	vmax.f32 v14, v29  }
0x239: {  	v21 =	vmax.f32 v25, v35;
	v25 =	vmax.f32 v26, v36;
	v26 =	vmax.f32 v27, v37;
	v23 =	vld [tilespmem:s26+$0xFFFFFE70]  }
0x23a: {  	v21 =	vmax.f32 v21, v24;
	v27 =	vmax.f32 v25, v33;
	v28 =	vmax.f32 v26, v34;
	v24 =	vld [tilespmem:s26+$0x70]  }
0x23b: {  	v25 =	vmax.f32 v21, v30;
	v26 =	vmax.f32 v27, v31;
	v27 =	vmax.f32 v28, v32;
	v21 =	vld [tilespmem:s26+$0x270];
	s26 =	sadd.s32 $0x800, s26  }
0x23c: {  	v7 =	vmax.f32 v25, v7;
	v8 =	vmax.f32 v26, v8;
	v9 =	vmax.f32 v27, v9  }
0x23d: {  	v12 =	vmax.f32 v12, v19;
	v16 =	vmax.f32 v16, v20;
	v61 =	vmax.f32 v13, v14  }
0x23e: {  	v63 =	vmov s23;
	v17 =	vmax.f32 v17, v22;
	v12 =	vmax.f32 v12, v15  }
0x23f: {  	v59 =	vmax.f32 v16, v18;
	v7 =	vmax.f32 v61, v7;
	v60 =	vmax.f32 v17, v23  }
0x240: {  	v10 =	vmax.f32 v12, v10;
	v11 =	vmax.f32 v59, v11;
	v7 =	vmax.f32 v7, v8  }
0x241: {  	v8 =	vshll.u32 v63, $0x7;
	v62 =	vmax.f32 v60, v24;
	v6 =	vmax.f32 v10, v6  }
0x242: {  	v7 =	vmax.f32 v7, v9;
	v9 =	vshll.u32 v4, $0x2;
	v8 =	vand.u32 $0x180, v8  }
0x243: {  	v10 =	vand.u32 $0x7F, v4;
	v9 =	vand.u32 $0xFFFFFE00, v9;
	v8 =	vbroadcast v8, $0x0  }
0x244: {  	v5 =	vmax.f32 v11, v5;
	v6 =	vmax.f32 v7, v6;
	v7 =	vor.u32 v9, v10  }
0x245: {  	v9 =	vmax.f32 v62, v21;
	v5 =	vmax.f32 v6, v5;
	v6 =	vor.u32 v8, v7  }
0x246: {  	v5 =	vmax.f32 v5, v9  }
0x247: {  	(xrf0) =	vmax.scan.msk.f32 $0xffff, v5;
	_ =	sdelay $0x2  }
0x248: {  	v6 =	vld.idx.msk [tilespmem:v6+s15+$0x0], $0xffff;
	_ =	sdelay $0x2  }
0x249: {  	v7, _, _ =	vpop (xrf0)  }
0x24a: {  	(v2sf) =	vpush v7, $0xF  }
0x24b: {  	(v2sf) =	vpush v6, $0x0;
	_ =	sdelay $0xd  }
0x24c: {  	s25 =	spop (v2sf)  }
0x24d: {  	s26 =	spop (v2sf)  }
0x24e: {  	p0 =	sge.f32 s26, s25  }
.Ltmp23:
0x24f: {  	_ = 	snop;
	(pc) =	sbr.rel @!p0 .LBB2_32-.Ltmp23, $2  }
0x250: {  	_ =	sdelay $0x2  }
0x251: {  	s26 =	simm.f32 $0.0e+00  }
0x252: {  	v6 =	vand.u32 $0xF, v4  }
0x253: {  	s26 =	simm.s32 $0x300;
	v7 =	vor.u32 v2, v6  }
0x254: {  	s28 =	simm.s32 $0x200;
	v13 =	vor.u32 s26, v7  }
0x255: {  	v8 =	vor.u32 v8, v6;
	v14 =	vor.u32 s28, v7;
	v9 =	vshll.u32 v13, $0x2  }
0x256: {  	s29 =	simm.s32 $0x100;
	v8 =	vor.u32 v3, v8;
	v10 =	vshll.u32 v14, $0x2;
	v9 =	vand.u32 $0x7FFFFE00, v9  }
0x257: {  	s30 =	simm.s32 $0x0;
	v15 =	vor.u32 s29, v7;
	v10 =	vand.u32 $0x7FFFFA00, v10;
	v11 =	vor.u32 v8, v9  }
0x258: {  	v21 =	vor.u32 s30, v7;
	v9 =	vshll.u32 v15, $0x2;
	v10 =	vor.u32 v8, v10  }
0x259: {  	v12 =	vshll.u32 v21, $0x2;
	v9 =	vand.u32 $0x7FFFF600, v9  }
0x25a: {  	v16 =	vor.u32 v8, v9;
	v9 =	vand.u32 $0x3200, v12  }
0x25b: {  	v17 =	vor.u32 v8, v9  }
0x25c: {  	s31 =	simm.s32 $0x500;
	s30 =	simm.s32 $0x600;
	s29 =	simm.s32 $0x700;
	vm0 =	veq.s32 v14, v4;
	v18 =	vld.idx.msk [tilespmem:v11+s15+$0x0], $0xffff  }
0x25d: {  	v12 =	vor.u32 s29, v7;
	v20 =	vld.idx.msk [tilespmem:v10+s15+$0x0], $0xffff;
	v10 =	vor.u32 s31, v7;
	v11 =	vor.u32 s30, v7  }
0x25e: {  	v23 =	vshll.u32 v12, $0x2;
	v19 =	vshll.u32 v10, $0x2;
	v22 =	vshll.u32 v11, $0x2  }
0x25f: {  	v24 =	vld.idx.msk [tilespmem:v16+s15+$0x0], $0xffff;
	v16 =	vand.u32 $0x7FFFF600, v19;
	v19 =	vand.u32 $0x7FFFFA00, v22;
	v22 =	vand.u32 $0x7FFFFE00, v23  }
0x260: {  	vm1 =	veq.s32 v13, v4;
	v9 =	vimm.f32 $-Inf;
	s31 =	simm.s32 $0x400;
	v23 =	vld.idx.msk [tilespmem:v17+s15+$0x0], $0xffff;
	v22 =	vor.u32 v8, v22  }
0x261: {  	v16 =	vor.u32 v8, v16;
	v19 =	vor.u32 v8, v19;
	v17 =	vor.u32 s31, v7  }
0x262: {  	v13 =	vshll.u32 v17, $0x2;
	v14 =	vmax.f32 v9, v20;
	v18 =	vmax.f32 v9, v18  }
0x263: {  	v20 =	vand.u32 $0x3200, v13;
	v13 =	vsel vm0, v9, v14;
	v14 =	vsel vm1, v9, v18  }
0x264: {  	v20 =	vor.u32 v8, v20;
	vm1 =	veq.s32 v15, v4;
	v15 =	vmax.f32 v9, v24  }
0x265: {  	s26 =	simm.s32 $0x800;
	vm0 =	veq.s32 v21, v4;
	v18 =	vld.idx.msk [tilespmem:v22+s15+$0x0], $0xffff;
	v21 =	vmax.f32 v9, v23;
	v15 =	vsel vm1, v9, v15  }
.LBB2_30:
0x266: {  	s28 =	sadd.s32 $0x100, s26;
	s29 =	sadd.s32 $0x200, s26;
	s30 =	sadd.s32 $0x300, s26;
	v22 =	vld.idx.msk [tilespmem:v19+s15+$0x0], $0xffff;
	v9 =	vsel vm0, v9, v21;
	v21 =	vmov v17  }
0x267: {  	p0 =	sne.s32 s26, $0xC00;
	v23 =	vor.u32 s28, v7;
	v24 =	vor.u32 s29, v7;
	v25 =	vor.u32 s30, v7;
	v26 =	vld.idx.msk [tilespmem:v16+s15+$0x0], $0xffff;
	s28 =	smov.u32 s26;
	s26 =	sadd.s32 $0x400, s26  }
0x268: {  	v16 =	vshll.u32 v23, $0x2;
	v17 =	vshll.u32 v24, $0x2;
	v19 =	vshll.u32 v25, $0x2  }
0x269: {  	v16 =	vand.u32 $0x7FFFF600, v16;
	v17 =	vand.u32 $0x7FFFFA00, v17;
	v27 =	vand.u32 $0x7FFFFE00, v19;
	v28 =	vld.idx.msk [tilespmem:v20+s15+$0x0], $0xffff  }
0x26a: {  	v16 =	vor.u32 v8, v16;
	v19 =	vor.u32 v8, v17;
	v27 =	vor.u32 v8, v27  }
.Ltmp24:
0x26b: {  	vm0 =	veq.s32 v11, v4;
	vm1 =	veq.s32 v12, v4;
	v11 =	vmovc v24;
	v12 =	vmovc v25;
	v17 =	vor.u32 s28, v7;
	(pc) =	sbr.rel @p0 .LBB2_30-.Ltmp24, $4  }
0x26c: {  	v18 =	vmax.f32 v14, v18;
	v20 =	vshll.u32 v17, $0x2;
	v22 =	vmax.f32 v13, v22  }
0x26d: {  	v14 =	vsel vm1, v14, v18;
	v20 =	vand.u32 $0x3200, v20;
	v13 =	vsel vm0, v13, v22  }
0x26e: {  	vm1 =	veq.s32 v10, v4;
	v10 =	vmovc v23;
	v22 =	vmax.f32 v15, v26;
	v20 =	vor.u32 v8, v20  }
0x26f: {  	vm0 =	veq.s32 v21, v4;
	v15 =	vsel vm1, v15, v22;
	v21 =	vmax.f32 v9, v28;
	v18 =	vld.idx.msk [tilespmem:v27+s15+$0x0], $0xffff  }
0x270: {  	_ =	sdelay $0x3  }
0x271: {  	v7 =	vld.idx.msk [tilespmem:v19+s15+$0x0], $0xffff  }
0x272: {  	v8 =	vld.idx.msk [tilespmem:v16+s15+$0x0], $0xffff  }
0x273: {  	v61 =	vld.idx.msk [tilespmem:v20+s15+$0x0], $0xffff;
	_ =	sdelay $0x1  }
0x274: {  	v9 =	vsel vm0, v9, v21;
	vm12 =	veq.s32 v11, v4  }
0x275: {  	vm1 =	veq.s32 v12, v4;
	vm13 =	veq.s32 v10, v4;
	vm14 =	veq.s32 v17, v4  }
0x276: {  	vm15 =	veq.s32 v6, v0;
	v62 =	vmax.f32 v14, v18;
	v7 =	vmax.f32 v13, v7  }
0x277: {  	v11 =	vsel vm1, v14, v62;
	v8 =	vmax.f32 v15, v8;
	v4 =	vmax.f32 v9, v61  }
0x278: {  	v7 =	vsel vm12, v13, v7;
	v8 =	vsel vm13, v15, v8;
	v4 =	vsel vm14, v9, v4  }
0x279: {  	v5 =	vsel vm15, $0xFF800000, v5;
	v4 =	vmax.f32 v4, v8;
	v63 =	vmax.f32 v7, v11  }
0x27a: {  	(xrf0) =	vmax.scan.msk.f32 $0xffff, v5;
	v4 =	vmax.f32 v4, v63  }
0x27b: {  	(xrf0) =	vmax.scan.msk.f32 $0xffff, v4;
	_ =	sdelay $0x4  }
0x27c: {  	v4, _, _ =	vpop (xrf0)  }
0x27d: {  	(v2sf) =	vpush v4, $0xF;
	v4, _, _ =	vpop (xrf0)  }
0x27e: {  	(v2sf) =	vpush v4, $0xF;
	_ =	sdelay $0xc  }
.Ltmp25:
0x27f: {  	_ = 	snop;
	(pc) =	sbr.rel .LBB2_32-.Ltmp25, $4  }
0x280: {  	s26 =	spop (v2sf)  }
0x281: {  	s28 =	spop (v2sf)  }
0x282: {  	s26 =	smax.f32 s26, s28  }
0x283: {  	s26 =	ssub.f32 s25, s26  }
.LBB2_34:
0x284: {  	_ =	sfence.sel $0x180000  }
0x285: {  	[bflag:$0x0] =	sbarrier.arrive $0xFFFF  }
0x286: {  	p0 =	sne.s32 s0, $0x0;
	_ =	strace $0x90000047  }
0x287: {  	s0 =	sadd.s32 @!p0 $0x100000, s1;
	[bflag:$0x2] =	sbarrier.arrive $0xFFFF  }
0x288: {  	[sflag:s0] =	ssyncadd.tile.s32 @!p0 $0x1;
	_ =	shalt  }
.Lfunc_end2:
_tile_overlayer_lowered:
.L_overlay_start_2:
0x289: {  	(tag) =	ssettag $0x2  }
0x28a: {  	s0 =	rddreg [dreg:$0x0];
	s2 =	stileid.u32  }
0x28b: {  	s1 =	rddreg [dreg:$0x1];
	p0 =	sne.s32 s2, $0x0  }
0x28c: {  	s3 =	rddreg [dreg:$0x2];
	[bflag:$0x3] =	sbarrier.arrive $0xFFFF;
	s2 =	simm.s32 @!p0 $0x1C03  }
0x28d: {  	[timem:s3], [sflag:s2] =	dma.local @!p0 [hbm:s0], s1  }
0x28e: {  	s0 =	simm.s32 @!p0 $0x3  }
0x28f: {  	_ =	swait.ge @!p0 [sflag:s0], s1  }
0x290: {  	s1 =	ssub.s32 @!p0 $0x0, s1;
	[sflag:s0] =	ssyncset.done @!p0 $0x0  }
0x291: {  	[sflag:s0] =	ssyncadd.s32 @!p0 s1  }
0x292: {  	[bflag:$0x3] =	sbarrier.arrive $0xFFFF  }
0x293: {  	_ =	shalt  }

</sc_bundles>
